<compile_context>
chip_gen: v7x
topology: tpu7x:2x2x1
jax: 0.10.2.dev20260603
libtpu: 0.0.44.dev20260713+nightly
codegen_flags: <defaults>
</compile_context>

<pallas_src>
import functools

import jax
import jax.numpy as jnp
from jax import lax
from jax.experimental import pallas as pl
from jax.experimental.pallas import tpu as pltpu
from jax.experimental.pallas import tpu_sc as plsc

_VAR0 = 0.1
_VAR1 = 0.2
_THRESHOLD = 0.5
_LN2 = 0.6931471805599453
_SQRT2 = 1.4142135623730951
_L = 16


def _log_f32(x):
    xi = lax.bitcast_convert_type(x, jnp.int32)
    e = lax.shift_right_arithmetic(xi, 23) - 127
    m = lax.bitcast_convert_type(
        lax.bitwise_or(lax.bitwise_and(xi, 0x7FFFFF), 0x3F800000), jnp.float32)
    big = m > _SQRT2
    m = jnp.where(big, 0.5 * m, m)
    e = jnp.where(big, e + 1, e)
    s = (m - 1.0) / (m + 1.0)
    s2 = s * s
    p = 1.0 + s2 * (1.0 / 3.0 + s2 * (0.2 + s2 * (1.0 / 7.0 + s2 * (1.0 / 9.0))))
    return e.astype(jnp.float32) * _LN2 + (2.0 * s) * p


@functools.lru_cache(maxsize=None)
def _build_sc_call(n_pri, n_box, nb_pad, nc, ns):
    nw = nc * ns
    per_w = -(-n_pri // (nw * _L)) * _L
    last_w = n_pri - (nw - 1) * per_w
    assert last_w > 0 and last_w % _L == 0
    chunks_full = per_w // _L
    chunks_last = last_w // _L
    f32 = jnp.float32
    i32 = jnp.int32

    def body(px1_h, py1_h, px2_h, py2_h, bx1_h, by1_h, bx2_h, by2_h, cls_h,
             ox_h, oy_h, ow_h, oh_h, oc_h,
             px1_v, py1_v, px2_v, py2_v,
             bx1_v, by1_v, bx2_v, by2_v, cls_v, ab_v,
             ox_v, oy_v, ow_v, oh_v, oc_v):
        wid = lax.axis_index("s") * nc + lax.axis_index("c")
        base = pl.multiple_of(wid * per_w, _L)
        is_last = wid == nw - 1

        def stage_in(cnt):
            pltpu.sync_copy(px1_h.at[pl.ds(base, cnt)], px1_v.at[pl.ds(0, cnt)])
            pltpu.sync_copy(py1_h.at[pl.ds(base, cnt)], py1_v.at[pl.ds(0, cnt)])
            pltpu.sync_copy(px2_h.at[pl.ds(base, cnt)], px2_v.at[pl.ds(0, cnt)])
            pltpu.sync_copy(py2_h.at[pl.ds(base, cnt)], py2_v.at[pl.ds(0, cnt)])

        @pl.when(jnp.logical_not(is_last))
        def _():
            stage_in(per_w)

        @pl.when(is_last)
        def _():
            stage_in(last_w)

        pltpu.sync_copy(bx1_h, bx1_v)
        pltpu.sync_copy(by1_h, by1_v)
        pltpu.sync_copy(bx2_h, bx2_v)
        pltpu.sync_copy(by2_h, by2_v)
        pltpu.sync_copy(cls_h, cls_v)

        def area_body(k, _):
            o = pl.multiple_of(k * _L, _L)
            ab_v[pl.ds(o, _L)] = (
                (bx2_v[pl.ds(o, _L)] - bx1_v[pl.ds(o, _L)]) *
                (by2_v[pl.ds(o, _L)] - by1_v[pl.ds(o, _L)]))
            return 0

        lax.fori_loop(0, nb_pad, area_body, 0)

        lane = lax.iota(i32, _L)
        n_chunks = jnp.where(is_last, chunks_last, chunks_full)

        def chunk_body(c, _):
            off = pl.multiple_of(c * _L, _L)
            p1 = px1_v[pl.ds(off, _L)]
            q1 = py1_v[pl.ds(off, _L)]
            p2 = px2_v[pl.ds(off, _L)]
            q2 = py2_v[pl.ds(off, _L)]
            psx = p2 - p1
            psy = q2 - q1
            area_p = psx * psy

            def box_body(i, carry):
                best, bidx = carry
                o = pl.multiple_of(i * _L, _L)
                a1 = jnp.maximum(bx1_v[pl.ds(o, _L)], p1)
                b1 = jnp.maximum(by1_v[pl.ds(o, _L)], q1)
                a2 = jnp.minimum(bx2_v[pl.ds(o, _L)], p2)
                b2 = jnp.minimum(by2_v[pl.ds(o, _L)], q2)
                iw = jnp.maximum(a2 - a1, 0.0)
                ih = jnp.maximum(b2 - b1, 0.0)
                inter = iw * ih
                iou = inter / ((ab_v[pl.ds(o, _L)] + area_p) - inter)
                upd = iou > best
                best = jnp.where(upd, iou, best)
                bidx = jnp.where(upd, i, bidx)
                return best, bidx

            best, bidx = lax.fori_loop(
                0, n_box, box_body,
                (jnp.full((_L,), -1.0, f32), jnp.zeros((_L,), i32)),
                unroll=4)

            gidx = bidx * _L + lane
            gx1 = plsc.load_gather(bx1_v, [gidx])
            gy1 = plsc.load_gather(by1_v, [gidx])
            gx2 = plsc.load_gather(bx2_v, [gidx])
            gy2 = plsc.load_gather(by2_v, [gidx])
            gc = plsc.load_gather(cls_v, [bidx])

            cx = (0.5 * (gx1 + gx2) - 0.5 * (p1 + p2)) / (_VAR0 * psx)
            cy = (0.5 * (gy1 + gy2) - 0.5 * (q1 + q2)) / (_VAR0 * psy)
            w = _log_f32((gx2 - gx1) / psx + 1e-06) / _VAR1
            h = _log_f32((gy2 - gy1) / psy + 1e-06) / _VAR1
            conf = jnp.where(best < _THRESHOLD, 0, 1 + gc)
            ox_v[pl.ds(off, _L)] = cx
            oy_v[pl.ds(off, _L)] = cy
            ow_v[pl.ds(off, _L)] = w
            oh_v[pl.ds(off, _L)] = h
            oc_v[pl.ds(off, _L)] = conf
            return 0

        lax.fori_loop(0, n_chunks, chunk_body, 0)

        def stage_out(cnt):
            pltpu.sync_copy(ox_v.at[pl.ds(0, cnt)], ox_h.at[pl.ds(base, cnt)])
            pltpu.sync_copy(oy_v.at[pl.ds(0, cnt)], oy_h.at[pl.ds(base, cnt)])
            pltpu.sync_copy(ow_v.at[pl.ds(0, cnt)], ow_h.at[pl.ds(base, cnt)])
            pltpu.sync_copy(oh_v.at[pl.ds(0, cnt)], oh_h.at[pl.ds(base, cnt)])
            pltpu.sync_copy(oc_v.at[pl.ds(0, cnt)], oc_h.at[pl.ds(base, cnt)])

        @pl.when(jnp.logical_not(is_last))
        def _():
            stage_out(per_w)

        @pl.when(is_last)
        def _():
            stage_out(last_w)

    return pl.kernel(
        body,
        out_type=(
            jax.ShapeDtypeStruct((n_pri,), f32),
            jax.ShapeDtypeStruct((n_pri,), f32),
            jax.ShapeDtypeStruct((n_pri,), f32),
            jax.ShapeDtypeStruct((n_pri,), f32),
            jax.ShapeDtypeStruct((n_pri,), i32),
        ),
        mesh=plsc.VectorSubcoreMesh(core_axis_name="c", subcore_axis_name="s"),
        compiler_params=pltpu.CompilerParams(needs_layout_passes=False),
        scratch_types=[
            pltpu.VMEM((per_w,), f32),
            pltpu.VMEM((per_w,), f32),
            pltpu.VMEM((per_w,), f32),
            pltpu.VMEM((per_w,), f32),
            pltpu.VMEM((nb_pad * _L,), f32),
            pltpu.VMEM((nb_pad * _L,), f32),
            pltpu.VMEM((nb_pad * _L,), f32),
            pltpu.VMEM((nb_pad * _L,), f32),
            pltpu.VMEM((nb_pad,), i32),
            pltpu.VMEM((nb_pad * _L,), f32),
            pltpu.VMEM((per_w,), f32),
            pltpu.VMEM((per_w,), f32),
            pltpu.VMEM((per_w,), f32),
            pltpu.VMEM((per_w,), f32),
            pltpu.VMEM((per_w,), i32),
        ],
    )


def kernel(bboxes, classes, priors):
    n_pri = priors.shape[0]
    n_box = bboxes.shape[0]
    info = plsc.get_sparse_core_info()
    nc, ns = info.num_cores, info.num_subcores
    nb_pad = ((n_box + _L - 1) // _L) * _L

    bpad = jnp.concatenate(
        [bboxes, jnp.zeros((nb_pad - n_box, 4), jnp.float32)], axis=0)
    cls_pad = jnp.concatenate(
        [classes.astype(jnp.int32), jnp.zeros((nb_pad - n_box,), jnp.int32)])

    def rep(col):
        return jnp.broadcast_to(col[:, None], (nb_pad, _L)).reshape(-1)

    fn = _build_sc_call(n_pri, n_box, nb_pad, nc, ns)
    ox, oy, ow, oh, conf = fn(
        priors[:, 0], priors[:, 1], priors[:, 2], priors[:, 3],
        rep(bpad[:, 0]), rep(bpad[:, 1]), rep(bpad[:, 2]), rep(bpad[:, 3]),
        cls_pad)
    loc = jnp.stack([ox, oy, ow, oh], axis=1)
    return loc, conf

# --- scband reference (transcript-rebuilt; emitter-appended) ---
"""Pipeline reference for scband-base-detection-encoder-41549513622346 (READ-ONLY COPY).

The authoritative reference and input builder live on the scoring server;
editing this copy changes nothing except your own understanding.
"""

import jax, jax.numpy as jnp
import numpy as np

VAR0, VAR1 = 0.1, 0.2
THRESHOLD = 0.5


def _generate_anchors(fmap=50, tile=64, stride=10, aspect_ratios=(0.5, 1.0), scales=(0.5, 1.0, 1.5, 2.0)):
    fmap_size = np.array([fmap, fmap], 'int64')
    tile_size = np.array([tile, tile], 'int64')
    stride_a = np.array([stride, stride], 'int64')
    ar = np.array(aspect_ratios, 'float')
    sc = np.array(scales, 'float')
    gx, gy, gr, gs = np.meshgrid(np.arange(fmap_size[0]), np.arange(fmap_size[1]), np.arange(len(ar)), np.arange(len(sc)), indexing='ij')
    z = np.zeros(shape=(fmap_size[0], fmap_size[1], len(ar), len(sc), 4))
    z[gx, gy, gr, gs, 0] = (gx + 0.5) * stride_a[0] - 0.5 * tile_size[0] * sc[gs] * np.sqrt(ar[gr])
    z[gx, gy, gr, gs, 1] = (gy + 0.5) * stride_a[1] - 0.5 * tile_size[1] * sc[gs] * np.sqrt(1.0 / ar[gr])
    z[gx, gy, gr, gs, 2] = (gx + 0.5) * stride_a[0] + 0.5 * tile_size[0] * sc[gs] * np.sqrt(ar[gr])
    z[gx, gy, gr, gs, 3] = (gy + 0.5) * stride_a[1] + 0.5 * tile_size[1] * sc[gs] * np.sqrt(1.0 / ar[gr])
    return z.reshape(-1, 4).astype('float32')


def setup_inputs(seed: int = 0) -> dict:
    key = jax.random.key(seed)
    k1, k2, k3 = jax.random.split(key, 3)
    # 100 valid ground-truth boxes (x1 < x2, y1 < y2) in a 500x500 image
    p1 = jax.random.uniform(k1, (100, 2), dtype=jnp.float32) * 400.0
    wh = jax.random.uniform(k2, (100, 2), dtype=jnp.float32) * 96.0 + 4.0
    bboxes = jnp.concatenate([p1, p1 + wh], axis=1)
    classes = jax.random.randint(k3, (100,), 0, 80, dtype=jnp.int64)
    priors = jnp.asarray(_generate_anchors())  # [20000, 4]
    return {"bboxes": bboxes, "classes": classes, "priors": priors}


def _iou(x, y):
    lb = jnp.maximum(x[..., :, None, :2], y[..., None, :, :2])
    ub = jnp.minimum(x[..., :, None, 2:], y[..., None, :, 2:])
    inter = jnp.prod(jnp.clip(ub - lb, 0.0, None), -1)
    area_x = ((x[..., :, 2] - x[..., :, 0]) * (x[..., :, 3] - x[..., :, 1]))[..., :, None]
    area_y = ((y[..., :, 2] - y[..., :, 0]) * (y[..., :, 3] - y[..., :, 1]))[..., None, :]
    return inter / (area_x + area_y - inter)


def reference(bboxes, classes, priors):
    # BaseDetectionEncoder.encode
    iou = _iou(bboxes, priors)              # [n_boxes, n_priors]
    best_iou = jnp.max(iou, axis=0)         # [n_priors]
    max_idx = jnp.argmax(iou, axis=0)       # [n_priors]
    b = jnp.take(bboxes, max_idx, axis=0)   # gather: [n_priors, 4]
    prior_centers = 0.5 * (priors[:, 2:] + priors[:, :2])
    prior_sizes = priors[:, 2:] - priors[:, :2]
    cxcy = 0.5 * (b[:, :2] + b[:, 2:]) - prior_centers
    cxcy = cxcy / (VAR0 * prior_sizes)
    wh = (b[:, 2:] - b[:, :2]) / prior_sizes
    wh = jnp.log(wh + 1e-06) / VAR1
    loc = jnp.concatenate([cxcy, wh], axis=1)
    conf = 1 + jnp.take(classes, max_idx, axis=0)
    conf = jnp.where(best_iou < THRESHOLD, 0, conf)
    return (loc, conf)

if __name__ == "__main__":
    import jax
    _d = setup_inputs()
    print(jax.jit(kernel)(*tuple(_d.values())))

</pallas_src>

<mosaic_0001>
#map = affine_map<(d0, d1) -> (0)>
module attributes {stable_mosaic.version = 14 : i64} {
  func.func @body(%arg0: i32, %arg1: i32, %arg2: memref<20000xf32, #tpu.memory_space<hbm>>, %arg3: memref<20000xf32, #tpu.memory_space<hbm>>, %arg4: memref<20000xf32, #tpu.memory_space<hbm>>, %arg5: memref<20000xf32, #tpu.memory_space<hbm>>, %arg6: memref<1792xf32, #tpu.memory_space<hbm>>, %arg7: memref<1792xf32, #tpu.memory_space<hbm>>, %arg8: memref<1792xf32, #tpu.memory_space<hbm>>, %arg9: memref<1792xf32, #tpu.memory_space<hbm>>, %arg10: memref<112xi32, #tpu.memory_space<hbm>>, %arg11: memref<20000xf32, #tpu.memory_space<hbm>>, %arg12: memref<20000xf32, #tpu.memory_space<hbm>>, %arg13: memref<20000xf32, #tpu.memory_space<hbm>>, %arg14: memref<20000xf32, #tpu.memory_space<hbm>>, %arg15: memref<20000xi32, #tpu.memory_space<hbm>>, %arg16: memref<640xf32, #tpu.memory_space<vmem>>, %arg17: memref<640xf32, #tpu.memory_space<vmem>>, %arg18: memref<640xf32, #tpu.memory_space<vmem>>, %arg19: memref<640xf32, #tpu.memory_space<vmem>>, %arg20: memref<1792xf32, #tpu.memory_space<vmem>>, %arg21: memref<1792xf32, #tpu.memory_space<vmem>>, %arg22: memref<1792xf32, #tpu.memory_space<vmem>>, %arg23: memref<1792xf32, #tpu.memory_space<vmem>>, %arg24: memref<112xi32, #tpu.memory_space<vmem>>, %arg25: memref<1792xf32, #tpu.memory_space<vmem>>, %arg26: memref<640xf32, #tpu.memory_space<vmem>>, %arg27: memref<640xf32, #tpu.memory_space<vmem>>, %arg28: memref<640xf32, #tpu.memory_space<vmem>>, %arg29: memref<640xf32, #tpu.memory_space<vmem>>, %arg30: memref<640xi32, #tpu.memory_space<vmem>>) attributes {dimension_semantics = [#tpu.dimension_semantics<core_parallel>, #tpu.dimension_semantics<subcore_parallel>], iteration_bounds = array<i64: 2, 16>, scalar_prefetch = 0 : i64, scratch_operands = 15 : i64, tpu.core_type = #tpu.core_type<sc_vector_subcore>, window_params = [{transform_indices = #map}, {transform_indices = #map}, {transform_indices = #map}, {transform_indices = #map}, {transform_indices = #map}, {transform_indices = #map}, {transform_indices = #map}, {transform_indices = #map}, {transform_indices = #map}, {transform_indices = #map}, {transform_indices = #map}, {transform_indices = #map}, {transform_indices = #map}, {transform_indices = #map}]} {
    %mul3A = arith.constant 2 : i32
    %mul3A_0 = arith.muli %arg1, %mul3A : i32
    %add3A = arith.addi %mul3A_0, %arg0 : i32
    %mul3A_1 = arith.constant 640 : i32
    %mul3A_2 = arith.muli %add3A, %mul3A_1 : i32
    %multiple_of3A = tpu.assume_multiple %mul3A_2, 16 : i32
    %eq3A = arith.constant 31 : i32
    %eq3A_3 = arith.cmpi eq, %add3A, %eq3A : i32
    %not3A = arith.constant true
    %not3A_4 = arith.xori %eq3A_3, %not3A : i1
    %convert_element_type3A = arith.extui %not3A_4 : i1 to i32
    %cond3A = arith.constant 0 : i32
    %cond3A_5 = arith.cmpi ne, %convert_element_type3A, %cond3A : i32
    scf.if %cond3A_5 {
      "tpu.region"() ({
        %run_scoped3A = tpu.sem_alloc : memref<!tpu.dma_semaphore, #tpu.memory_space<semaphore_mem>>
        %dma_start3A = arith.constant 0 : i32
        %dma_start3A_35 = tpu.memref_slice %arg16[%dma_start3A] : memref<640xf32, #tpu.memory_space<vmem>> -> memref<640xf32, #tpu.memory_space<vmem>>
        %dma_start3A_36 = tpu.memref_slice %arg2[%multiple_of3A] : memref<20000xf32, #tpu.memory_space<hbm>> -> memref<640xf32, #tpu.memory_space<hbm>>
        %dma_start3A_37 = arith.constant 0 : i32
        %dma_start3A_38 = tpu.memref_slice %arg16[%dma_start3A_37] : memref<640xf32, #tpu.memory_space<vmem>> -> memref<640xf32, #tpu.memory_space<vmem>>
        %dma_start3A_39 = tpu.memref_slice %arg2[%multiple_of3A] : memref<20000xf32, #tpu.memory_space<hbm>> -> memref<640xf32, #tpu.memory_space<hbm>>
        tpu.enqueue_dma source(%dma_start3A_39 : memref<640xf32, #tpu.memory_space<hbm>>) target(%dma_start3A_38 : memref<640xf32, #tpu.memory_space<vmem>>) target_semaphore(%run_scoped3A : memref<!tpu.dma_semaphore, #tpu.memory_space<semaphore_mem>>)
        %dma_wait3A = arith.constant 0 : i32
        %dma_wait3A_40 = tpu.memref_slice %arg16[%dma_wait3A] : memref<640xf32, #tpu.memory_space<vmem>> -> memref<640xf32, #tpu.memory_space<vmem>>
        %dma_wait3A_41 = tpu.memref_slice %arg2[%multiple_of3A] : memref<20000xf32, #tpu.memory_space<hbm>> -> memref<640xf32, #tpu.memory_space<hbm>>
        %dma_wait3A_42 = arith.constant 0 : i32
        %dma_wait3A_43 = tpu.memref_slice %arg16[%dma_wait3A_42] : memref<640xf32, #tpu.memory_space<vmem>> -> memref<640xf32, #tpu.memory_space<vmem>>
        %dma_wait3A_44 = tpu.memref_slice %arg2[%multiple_of3A] : memref<20000xf32, #tpu.memory_space<hbm>> -> memref<640xf32, #tpu.memory_space<hbm>>
        tpu.wait_dma2 semaphore(%run_scoped3A : memref<!tpu.dma_semaphore, #tpu.memory_space<semaphore_mem>>) src(%dma_wait3A_44 : memref<640xf32, #tpu.memory_space<hbm>>) dst(%dma_wait3A_43 : memref<640xf32, #tpu.memory_space<vmem>>)
        tpu.yield
      }) : () -> ()
      "tpu.region"() ({
        %run_scoped3A = tpu.sem_alloc : memref<!tpu.dma_semaphore, #tpu.memory_space<semaphore_mem>>
        %dma_start3A = arith.constant 0 : i32
        %dma_start3A_35 = tpu.memref_slice %arg17[%dma_start3A] : memref<640xf32, #tpu.memory_space<vmem>> -> memref<640xf32, #tpu.memory_space<vmem>>
        %dma_start3A_36 = tpu.memref_slice %arg3[%multiple_of3A] : memref<20000xf32, #tpu.memory_space<hbm>> -> memref<640xf32, #tpu.memory_space<hbm>>
        %dma_start3A_37 = arith.constant 0 : i32
        %dma_start3A_38 = tpu.memref_slice %arg17[%dma_start3A_37] : memref<640xf32, #tpu.memory_space<vmem>> -> memref<640xf32, #tpu.memory_space<vmem>>
        %dma_start3A_39 = tpu.memref_slice %arg3[%multiple_of3A] : memref<20000xf32, #tpu.memory_space<hbm>> -> memref<640xf32, #tpu.memory_space<hbm>>
        tpu.enqueue_dma source(%dma_start3A_39 : memref<640xf32, #tpu.memory_space<hbm>>) target(%dma_start3A_38 : memref<640xf32, #tpu.memory_space<vmem>>) target_semaphore(%run_scoped3A : memref<!tpu.dma_semaphore, #tpu.memory_space<semaphore_mem>>)
        %dma_wait3A = arith.constant 0 : i32
        %dma_wait3A_40 = tpu.memref_slice %arg17[%dma_wait3A] : memref<640xf32, #tpu.memory_space<vmem>> -> memref<640xf32, #tpu.memory_space<vmem>>
        %dma_wait3A_41 = tpu.memref_slice %arg3[%multiple_of3A] : memref<20000xf32, #tpu.memory_space<hbm>> -> memref<640xf32, #tpu.memory_space<hbm>>
        %dma_wait3A_42 = arith.constant 0 : i32
        %dma_wait3A_43 = tpu.memref_slice %arg17[%dma_wait3A_42] : memref<640xf32, #tpu.memory_space<vmem>> -> memref<640xf32, #tpu.memory_space<vmem>>
        %dma_wait3A_44 = tpu.memref_slice %arg3[%multiple_of3A] : memref<20000xf32, #tpu.memory_space<hbm>> -> memref<640xf32, #tpu.memory_space<hbm>>
        tpu.wait_dma2 semaphore(%run_scoped3A : memref<!tpu.dma_semaphore, #tpu.memory_space<semaphore_mem>>) src(%dma_wait3A_44 : memref<640xf32, #tpu.memory_space<hbm>>) dst(%dma_wait3A_43 : memref<640xf32, #tpu.memory_space<vmem>>)
        tpu.yield
      }) : () -> ()
      "tpu.region"() ({
        %run_scoped3A = tpu.sem_alloc : memref<!tpu.dma_semaphore, #tpu.memory_space<semaphore_mem>>
        %dma_start3A = arith.constant 0 : i32
        %dma_start3A_35 = tpu.memref_slice %arg18[%dma_start3A] : memref<640xf32, #tpu.memory_space<vmem>> -> memref<640xf32, #tpu.memory_space<vmem>>
        %dma_start3A_36 = tpu.memref_slice %arg4[%multiple_of3A] : memref<20000xf32, #tpu.memory_space<hbm>> -> memref<640xf32, #tpu.memory_space<hbm>>
        %dma_start3A_37 = arith.constant 0 : i32
        %dma_start3A_38 = tpu.memref_slice %arg18[%dma_start3A_37] : memref<640xf32, #tpu.memory_space<vmem>> -> memref<640xf32, #tpu.memory_space<vmem>>
        %dma_start3A_39 = tpu.memref_slice %arg4[%multiple_of3A] : memref<20000xf32, #tpu.memory_space<hbm>> -> memref<640xf32, #tpu.memory_space<hbm>>
        tpu.enqueue_dma source(%dma_start3A_39 : memref<640xf32, #tpu.memory_space<hbm>>) target(%dma_start3A_38 : memref<640xf32, #tpu.memory_space<vmem>>) target_semaphore(%run_scoped3A : memref<!tpu.dma_semaphore, #tpu.memory_space<semaphore_mem>>)
        %dma_wait3A = arith.constant 0 : i32
        %dma_wait3A_40 = tpu.memref_slice %arg18[%dma_wait3A] : memref<640xf32, #tpu.memory_space<vmem>> -> memref<640xf32, #tpu.memory_space<vmem>>
        %dma_wait3A_41 = tpu.memref_slice %arg4[%multiple_of3A] : memref<20000xf32, #tpu.memory_space<hbm>> -> memref<640xf32, #tpu.memory_space<hbm>>
        %dma_wait3A_42 = arith.constant 0 : i32
        %dma_wait3A_43 = tpu.memref_slice %arg18[%dma_wait3A_42] : memref<640xf32, #tpu.memory_space<vmem>> -> memref<640xf32, #tpu.memory_space<vmem>>
        %dma_wait3A_44 = tpu.memref_slice %arg4[%multiple_of3A] : memref<20000xf32, #tpu.memory_space<hbm>> -> memref<640xf32, #tpu.memory_space<hbm>>
        tpu.wait_dma2 semaphore(%run_scoped3A : memref<!tpu.dma_semaphore, #tpu.memory_space<semaphore_mem>>) src(%dma_wait3A_44 : memref<640xf32, #tpu.memory_space<hbm>>) dst(%dma_wait3A_43 : memref<640xf32, #tpu.memory_space<vmem>>)
        tpu.yield
      }) : () -> ()
      "tpu.region"() ({
        %run_scoped3A = tpu.sem_alloc : memref<!tpu.dma_semaphore, #tpu.memory_space<semaphore_mem>>
        %dma_start3A = arith.constant 0 : i32
        %dma_start3A_35 = tpu.memref_slice %arg19[%dma_start3A] : memref<640xf32, #tpu.memory_space<vmem>> -> memref<640xf32, #tpu.memory_space<vmem>>
        %dma_start3A_36 = tpu.memref_slice %arg5[%multiple_of3A] : memref<20000xf32, #tpu.memory_space<hbm>> -> memref<640xf32, #tpu.memory_space<hbm>>
        %dma_start3A_37 = arith.constant 0 : i32
        %dma_start3A_38 = tpu.memref_slice %arg19[%dma_start3A_37] : memref<640xf32, #tpu.memory_space<vmem>> -> memref<640xf32, #tpu.memory_space<vmem>>
        %dma_start3A_39 = tpu.memref_slice %arg5[%multiple_of3A] : memref<20000xf32, #tpu.memory_space<hbm>> -> memref<640xf32, #tpu.memory_space<hbm>>
        tpu.enqueue_dma source(%dma_start3A_39 : memref<640xf32, #tpu.memory_space<hbm>>) target(%dma_start3A_38 : memref<640xf32, #tpu.memory_space<vmem>>) target_semaphore(%run_scoped3A : memref<!tpu.dma_semaphore, #tpu.memory_space<semaphore_mem>>)
        %dma_wait3A = arith.constant 0 : i32
        %dma_wait3A_40 = tpu.memref_slice %arg19[%dma_wait3A] : memref<640xf32, #tpu.memory_space<vmem>> -> memref<640xf32, #tpu.memory_space<vmem>>
        %dma_wait3A_41 = tpu.memref_slice %arg5[%multiple_of3A] : memref<20000xf32, #tpu.memory_space<hbm>> -> memref<640xf32, #tpu.memory_space<hbm>>
        %dma_wait3A_42 = arith.constant 0 : i32
        %dma_wait3A_43 = tpu.memref_slice %arg19[%dma_wait3A_42] : memref<640xf32, #tpu.memory_space<vmem>> -> memref<640xf32, #tpu.memory_space<vmem>>
        %dma_wait3A_44 = tpu.memref_slice %arg5[%multiple_of3A] : memref<20000xf32, #tpu.memory_space<hbm>> -> memref<640xf32, #tpu.memory_space<hbm>>
        tpu.wait_dma2 semaphore(%run_scoped3A : memref<!tpu.dma_semaphore, #tpu.memory_space<semaphore_mem>>) src(%dma_wait3A_44 : memref<640xf32, #tpu.memory_space<hbm>>) dst(%dma_wait3A_43 : memref<640xf32, #tpu.memory_space<vmem>>)
        tpu.yield
      }) : () -> ()
    } else {
    }
    %convert_element_type3A_6 = arith.extui %eq3A_3 : i1 to i32
    %cond3A_7 = arith.constant 0 : i32
    %cond3A_8 = arith.cmpi ne, %convert_element_type3A_6, %cond3A_7 : i32
    scf.if %cond3A_8 {
      "tpu.region"() ({
        %run_scoped3A = tpu.sem_alloc : memref<!tpu.dma_semaphore, #tpu.memory_space<semaphore_mem>>
        %dma_start3A = arith.constant 0 : i32
        %dma_start3A_35 = tpu.memref_slice %arg16[%dma_start3A] : memref<640xf32, #tpu.memory_space<vmem>> -> memref<160xf32, #tpu.memory_space<vmem>>
        %dma_start3A_36 = tpu.memref_slice %arg2[%multiple_of3A] : memref<20000xf32, #tpu.memory_space<hbm>> -> memref<160xf32, #tpu.memory_space<hbm>>
        %dma_start3A_37 = arith.constant 0 : i32
        %dma_start3A_38 = tpu.memref_slice %arg16[%dma_start3A_37] : memref<640xf32, #tpu.memory_space<vmem>> -> memref<160xf32, #tpu.memory_space<vmem>>
        %dma_start3A_39 = tpu.memref_slice %arg2[%multiple_of3A] : memref<20000xf32, #tpu.memory_space<hbm>> -> memref<160xf32, #tpu.memory_space<hbm>>
        tpu.enqueue_dma source(%dma_start3A_39 : memref<160xf32, #tpu.memory_space<hbm>>) target(%dma_start3A_38 : memref<160xf32, #tpu.memory_space<vmem>>) target_semaphore(%run_scoped3A : memref<!tpu.dma_semaphore, #tpu.memory_space<semaphore_mem>>)
        %dma_wait3A = arith.constant 0 : i32
        %dma_wait3A_40 = tpu.memref_slice %arg16[%dma_wait3A] : memref<640xf32, #tpu.memory_space<vmem>> -> memref<160xf32, #tpu.memory_space<vmem>>
        %dma_wait3A_41 = tpu.memref_slice %arg2[%multiple_of3A] : memref<20000xf32, #tpu.memory_space<hbm>> -> memref<160xf32, #tpu.memory_space<hbm>>
        %dma_wait3A_42 = arith.constant 0 : i32
        %dma_wait3A_43 = tpu.memref_slice %arg16[%dma_wait3A_42] : memref<640xf32, #tpu.memory_space<vmem>> -> memref<160xf32, #tpu.memory_space<vmem>>
        %dma_wait3A_44 = tpu.memref_slice %arg2[%multiple_of3A] : memref<20000xf32, #tpu.memory_space<hbm>> -> memref<160xf32, #tpu.memory_space<hbm>>
        tpu.wait_dma2 semaphore(%run_scoped3A : memref<!tpu.dma_semaphore, #tpu.memory_space<semaphore_mem>>) src(%dma_wait3A_44 : memref<160xf32, #tpu.memory_space<hbm>>) dst(%dma_wait3A_43 : memref<160xf32, #tpu.memory_space<vmem>>)
        tpu.yield
      }) : () -> ()
      "tpu.region"() ({
        %run_scoped3A = tpu.sem_alloc : memref<!tpu.dma_semaphore, #tpu.memory_space<semaphore_mem>>
        %dma_start3A = arith.constant 0 : i32
        %dma_start3A_35 = tpu.memref_slice %arg17[%dma_start3A] : memref<640xf32, #tpu.memory_space<vmem>> -> memref<160xf32, #tpu.memory_space<vmem>>
        %dma_start3A_36 = tpu.memref_slice %arg3[%multiple_of3A] : memref<20000xf32, #tpu.memory_space<hbm>> -> memref<160xf32, #tpu.memory_space<hbm>>
        %dma_start3A_37 = arith.constant 0 : i32
        %dma_start3A_38 = tpu.memref_slice %arg17[%dma_start3A_37] : memref<640xf32, #tpu.memory_space<vmem>> -> memref<160xf32, #tpu.memory_space<vmem>>
        %dma_start3A_39 = tpu.memref_slice %arg3[%multiple_of3A] : memref<20000xf32, #tpu.memory_space<hbm>> -> memref<160xf32, #tpu.memory_space<hbm>>
        tpu.enqueue_dma source(%dma_start3A_39 : memref<160xf32, #tpu.memory_space<hbm>>) target(%dma_start3A_38 : memref<160xf32, #tpu.memory_space<vmem>>) target_semaphore(%run_scoped3A : memref<!tpu.dma_semaphore, #tpu.memory_space<semaphore_mem>>)
        %dma_wait3A = arith.constant 0 : i32
        %dma_wait3A_40 = tpu.memref_slice %arg17[%dma_wait3A] : memref<640xf32, #tpu.memory_space<vmem>> -> memref<160xf32, #tpu.memory_space<vmem>>
        %dma_wait3A_41 = tpu.memref_slice %arg3[%multiple_of3A] : memref<20000xf32, #tpu.memory_space<hbm>> -> memref<160xf32, #tpu.memory_space<hbm>>
        %dma_wait3A_42 = arith.constant 0 : i32
        %dma_wait3A_43 = tpu.memref_slice %arg17[%dma_wait3A_42] : memref<640xf32, #tpu.memory_space<vmem>> -> memref<160xf32, #tpu.memory_space<vmem>>
        %dma_wait3A_44 = tpu.memref_slice %arg3[%multiple_of3A] : memref<20000xf32, #tpu.memory_space<hbm>> -> memref<160xf32, #tpu.memory_space<hbm>>
        tpu.wait_dma2 semaphore(%run_scoped3A : memref<!tpu.dma_semaphore, #tpu.memory_space<semaphore_mem>>) src(%dma_wait3A_44 : memref<160xf32, #tpu.memory_space<hbm>>) dst(%dma_wait3A_43 : memref<160xf32, #tpu.memory_space<vmem>>)
        tpu.yield
      }) : () -> ()
      "tpu.region"() ({
        %run_scoped3A = tpu.sem_alloc : memref<!tpu.dma_semaphore, #tpu.memory_space<semaphore_mem>>
        %dma_start3A = arith.constant 0 : i32
        %dma_start3A_35 = tpu.memref_slice %arg18[%dma_start3A] : memref<640xf32, #tpu.memory_space<vmem>> -> memref<160xf32, #tpu.memory_space<vmem>>
        %dma_start3A_36 = tpu.memref_slice %arg4[%multiple_of3A] : memref<20000xf32, #tpu.memory_space<hbm>> -> memref<160xf32, #tpu.memory_space<hbm>>
        %dma_start3A_37 = arith.constant 0 : i32
        %dma_start3A_38 = tpu.memref_slice %arg18[%dma_start3A_37] : memref<640xf32, #tpu.memory_space<vmem>> -> memref<160xf32, #tpu.memory_space<vmem>>
        %dma_start3A_39 = tpu.memref_slice %arg4[%multiple_of3A] : memref<20000xf32, #tpu.memory_space<hbm>> -> memref<160xf32, #tpu.memory_space<hbm>>
        tpu.enqueue_dma source(%dma_start3A_39 : memref<160xf32, #tpu.memory_space<hbm>>) target(%dma_start3A_38 : memref<160xf32, #tpu.memory_space<vmem>>) target_semaphore(%run_scoped3A : memref<!tpu.dma_semaphore, #tpu.memory_space<semaphore_mem>>)
        %dma_wait3A = arith.constant 0 : i32
        %dma_wait3A_40 = tpu.memref_slice %arg18[%dma_wait3A] : memref<640xf32, #tpu.memory_space<vmem>> -> memref<160xf32, #tpu.memory_space<vmem>>
        %dma_wait3A_41 = tpu.memref_slice %arg4[%multiple_of3A] : memref<20000xf32, #tpu.memory_space<hbm>> -> memref<160xf32, #tpu.memory_space<hbm>>
        %dma_wait3A_42 = arith.constant 0 : i32
        %dma_wait3A_43 = tpu.memref_slice %arg18[%dma_wait3A_42] : memref<640xf32, #tpu.memory_space<vmem>> -> memref<160xf32, #tpu.memory_space<vmem>>
        %dma_wait3A_44 = tpu.memref_slice %arg4[%multiple_of3A] : memref<20000xf32, #tpu.memory_space<hbm>> -> memref<160xf32, #tpu.memory_space<hbm>>
        tpu.wait_dma2 semaphore(%run_scoped3A : memref<!tpu.dma_semaphore, #tpu.memory_space<semaphore_mem>>) src(%dma_wait3A_44 : memref<160xf32, #tpu.memory_space<hbm>>) dst(%dma_wait3A_43 : memref<160xf32, #tpu.memory_space<vmem>>)
        tpu.yield
      }) : () -> ()
      "tpu.region"() ({
        %run_scoped3A = tpu.sem_alloc : memref<!tpu.dma_semaphore, #tpu.memory_space<semaphore_mem>>
        %dma_start3A = arith.constant 0 : i32
        %dma_start3A_35 = tpu.memref_slice %arg19[%dma_start3A] : memref<640xf32, #tpu.memory_space<vmem>> -> memref<160xf32, #tpu.memory_space<vmem>>
        %dma_start3A_36 = tpu.memref_slice %arg5[%multiple_of3A] : memref<20000xf32, #tpu.memory_space<hbm>> -> memref<160xf32, #tpu.memory_space<hbm>>
        %dma_start3A_37 = arith.constant 0 : i32
        %dma_start3A_38 = tpu.memref_slice %arg19[%dma_start3A_37] : memref<640xf32, #tpu.memory_space<vmem>> -> memref<160xf32, #tpu.memory_space<vmem>>
        %dma_start3A_39 = tpu.memref_slice %arg5[%multiple_of3A] : memref<20000xf32, #tpu.memory_space<hbm>> -> memref<160xf32, #tpu.memory_space<hbm>>
        tpu.enqueue_dma source(%dma_start3A_39 : memref<160xf32, #tpu.memory_space<hbm>>) target(%dma_start3A_38 : memref<160xf32, #tpu.memory_space<vmem>>) target_semaphore(%run_scoped3A : memref<!tpu.dma_semaphore, #tpu.memory_space<semaphore_mem>>)
        %dma_wait3A = arith.constant 0 : i32
        %dma_wait3A_40 = tpu.memref_slice %arg19[%dma_wait3A] : memref<640xf32, #tpu.memory_space<vmem>> -> memref<160xf32, #tpu.memory_space<vmem>>
        %dma_wait3A_41 = tpu.memref_slice %arg5[%multiple_of3A] : memref<20000xf32, #tpu.memory_space<hbm>> -> memref<160xf32, #tpu.memory_space<hbm>>
        %dma_wait3A_42 = arith.constant 0 : i32
        %dma_wait3A_43 = tpu.memref_slice %arg19[%dma_wait3A_42] : memref<640xf32, #tpu.memory_space<vmem>> -> memref<160xf32, #tpu.memory_space<vmem>>
        %dma_wait3A_44 = tpu.memref_slice %arg5[%multiple_of3A] : memref<20000xf32, #tpu.memory_space<hbm>> -> memref<160xf32, #tpu.memory_space<hbm>>
        tpu.wait_dma2 semaphore(%run_scoped3A : memref<!tpu.dma_semaphore, #tpu.memory_space<semaphore_mem>>) src(%dma_wait3A_44 : memref<160xf32, #tpu.memory_space<hbm>>) dst(%dma_wait3A_43 : memref<160xf32, #tpu.memory_space<vmem>>)
        tpu.yield
      }) : () -> ()
    } else {
    }
    "tpu.region"() ({
      %run_scoped3A = tpu.sem_alloc : memref<!tpu.dma_semaphore, #tpu.memory_space<semaphore_mem>>
      tpu.enqueue_dma source(%arg6 : memref<1792xf32, #tpu.memory_space<hbm>>) target(%arg20 : memref<1792xf32, #tpu.memory_space<vmem>>) target_semaphore(%run_scoped3A : memref<!tpu.dma_semaphore, #tpu.memory_space<semaphore_mem>>)
      tpu.wait_dma2 semaphore(%run_scoped3A : memref<!tpu.dma_semaphore, #tpu.memory_space<semaphore_mem>>) src(%arg6 : memref<1792xf32, #tpu.memory_space<hbm>>) dst(%arg20 : memref<1792xf32, #tpu.memory_space<vmem>>)
      tpu.yield
    }) : () -> ()
    "tpu.region"() ({
      %run_scoped3A = tpu.sem_alloc : memref<!tpu.dma_semaphore, #tpu.memory_space<semaphore_mem>>
      tpu.enqueue_dma source(%arg7 : memref<1792xf32, #tpu.memory_space<hbm>>) target(%arg21 : memref<1792xf32, #tpu.memory_space<vmem>>) target_semaphore(%run_scoped3A : memref<!tpu.dma_semaphore, #tpu.memory_space<semaphore_mem>>)
      tpu.wait_dma2 semaphore(%run_scoped3A : memref<!tpu.dma_semaphore, #tpu.memory_space<semaphore_mem>>) src(%arg7 : memref<1792xf32, #tpu.memory_space<hbm>>) dst(%arg21 : memref<1792xf32, #tpu.memory_space<vmem>>)
      tpu.yield
    }) : () -> ()
    "tpu.region"() ({
      %run_scoped3A = tpu.sem_alloc : memref<!tpu.dma_semaphore, #tpu.memory_space<semaphore_mem>>
      tpu.enqueue_dma source(%arg8 : memref<1792xf32, #tpu.memory_space<hbm>>) target(%arg22 : memref<1792xf32, #tpu.memory_space<vmem>>) target_semaphore(%run_scoped3A : memref<!tpu.dma_semaphore, #tpu.memory_space<semaphore_mem>>)
      tpu.wait_dma2 semaphore(%run_scoped3A : memref<!tpu.dma_semaphore, #tpu.memory_space<semaphore_mem>>) src(%arg8 : memref<1792xf32, #tpu.memory_space<hbm>>) dst(%arg22 : memref<1792xf32, #tpu.memory_space<vmem>>)
      tpu.yield
    }) : () -> ()
    "tpu.region"() ({
      %run_scoped3A = tpu.sem_alloc : memref<!tpu.dma_semaphore, #tpu.memory_space<semaphore_mem>>
      tpu.enqueue_dma source(%arg9 : memref<1792xf32, #tpu.memory_space<hbm>>) target(%arg23 : memref<1792xf32, #tpu.memory_space<vmem>>) target_semaphore(%run_scoped3A : memref<!tpu.dma_semaphore, #tpu.memory_space<semaphore_mem>>)
      tpu.wait_dma2 semaphore(%run_scoped3A : memref<!tpu.dma_semaphore, #tpu.memory_space<semaphore_mem>>) src(%arg9 : memref<1792xf32, #tpu.memory_space<hbm>>) dst(%arg23 : memref<1792xf32, #tpu.memory_space<vmem>>)
      tpu.yield
    }) : () -> ()
    "tpu.region"() ({
      %run_scoped3A = tpu.sem_alloc : memref<!tpu.dma_semaphore, #tpu.memory_space<semaphore_mem>>
      tpu.enqueue_dma source(%arg10 : memref<112xi32, #tpu.memory_space<hbm>>) target(%arg24 : memref<112xi32, #tpu.memory_space<vmem>>) target_semaphore(%run_scoped3A : memref<!tpu.dma_semaphore, #tpu.memory_space<semaphore_mem>>)
      tpu.wait_dma2 semaphore(%run_scoped3A : memref<!tpu.dma_semaphore, #tpu.memory_space<semaphore_mem>>) src(%arg10 : memref<112xi32, #tpu.memory_space<hbm>>) dst(%arg24 : memref<112xi32, #tpu.memory_space<vmem>>)
      tpu.yield
    }) : () -> ()
    %scan3A = arith.constant 0 : i32
    %scan3A_9 = arith.constant 0 : i32
    %scan3A_10 = arith.constant 112 : i32
    %scan3A_11 = arith.addi %scan3A_9, %scan3A_10 : i32
    %scan3A_12 = arith.constant 1 : i32
    %scan3A_13 = scf.for %scan3A_35 = %scan3A_9 to %scan3A_11 step %scan3A_12 iter_args(%scan3A_36 = %scan3A) -> (i32)  : i32 {
      %mul3A_37 = arith.constant 16 : i32
      %mul3A_38 = arith.muli %scan3A_35, %mul3A_37 : i32
      %multiple_of3A_39 = tpu.assume_multiple %mul3A_38, 16 : i32
      %get3A = arith.index_cast %multiple_of3A_39 : i32 to index
      %get3A_40 = tpu.vector_load %arg22[%get3A] {strides = array<i32>} : memref<1792xf32, #tpu.memory_space<vmem>>, vector<16xf32>,
      %get3A_41 = arith.index_cast %multiple_of3A_39 : i32 to index
      %get3A_42 = tpu.vector_load %arg20[%get3A_41] {strides = array<i32>} : memref<1792xf32, #tpu.memory_space<vmem>>, vector<16xf32>,
      %sub3A = arith.subf %get3A_40, %get3A_42 : vector<16xf32>
      %get3A_43 = arith.index_cast %multiple_of3A_39 : i32 to index
      %get3A_44 = tpu.vector_load %arg23[%get3A_43] {strides = array<i32>} : memref<1792xf32, #tpu.memory_space<vmem>>, vector<16xf32>,
      %get3A_45 = arith.index_cast %multiple_of3A_39 : i32 to index
      %get3A_46 = tpu.vector_load %arg21[%get3A_45] {strides = array<i32>} : memref<1792xf32, #tpu.memory_space<vmem>>, vector<16xf32>,
      %sub3A_47 = arith.subf %get3A_44, %get3A_46 : vector<16xf32>
      %mul3A_48 = arith.mulf %sub3A, %sub3A_47 : vector<16xf32>
      %swap3A = arith.index_cast %multiple_of3A_39 : i32 to index
      %swap3A_49 = tpu.vector_load %arg25[%swap3A] {strides = array<i32>} : memref<1792xf32, #tpu.memory_space<vmem>>, vector<16xf32>,
      tpu.vector_store %arg25[%swap3A], %mul3A_48 {strides = array<i32>} : memref<1792xf32, #tpu.memory_space<vmem>>, vector<16xf32>,
      %scan3A_50 = arith.constant 0 : i32
      scf.yield %scan3A_50 : i32
    }
    %scan3A_14 = arith.constant 112 : i32
    %iota3A = tpu.iota {dimensions = array<i32: 0>} : vector<16xi32>
    %jit3A = arith.constant 10 : i32
    %jit3A_15 = arith.constant 40 : i32
    %select_n3A = arith.select %eq3A_3, %jit3A, %jit3A_15 : i32
    %while3A = arith.constant 0 : i32
    %while3A_16 = arith.constant 0 : i32
    %while3A_17 = arith.subi %select_n3A, %while3A : i32
    %while3A_18 = arith.addi %while3A, %while3A_17 : i32
    %while3A_19 = arith.constant 1 : i32
    %while3A_20 = arith.divsi %while3A_17, %while3A_19 : i32
    %while3A_21 = arith.muli %while3A_20, %while3A_19 : i32
    %while3A_22 = arith.addi %while3A, %while3A_21 : i32
    %while3A_23 = arith.constant 1 : i32
    %while3A_24 = scf.for %while3A_35 = %while3A to %while3A_22 step %while3A_23 iter_args(%while3A_36 = %while3A_16) -> (i32)  : i32 {
      %mul3A_37 = arith.constant 16 : i32
      %mul3A_38 = arith.muli %while3A_35, %mul3A_37 : i32
      %multiple_of3A_39 = tpu.assume_multiple %mul3A_38, 16 : i32
      %get3A = arith.index_cast %multiple_of3A_39 : i32 to index
      %get3A_40 = tpu.vector_load %arg16[%get3A] {strides = array<i32>} : memref<640xf32, #tpu.memory_space<vmem>>, vector<16xf32>,
      %get3A_41 = arith.index_cast %multiple_of3A_39 : i32 to index
      %get3A_42 = tpu.vector_load %arg17[%get3A_41] {strides = array<i32>} : memref<640xf32, #tpu.memory_space<vmem>>, vector<16xf32>,
      %get3A_43 = arith.index_cast %multiple_of3A_39 : i32 to index
      %get3A_44 = tpu.vector_load %arg18[%get3A_43] {strides = array<i32>} : memref<640xf32, #tpu.memory_space<vmem>>, vector<16xf32>,
      %get3A_45 = arith.index_cast %multiple_of3A_39 : i32 to index
      %get3A_46 = tpu.vector_load %arg19[%get3A_45] {strides = array<i32>} : memref<640xf32, #tpu.memory_space<vmem>>, vector<16xf32>,
      %sub3A = arith.subf %get3A_44, %get3A_40 : vector<16xf32>
      %sub3A_47 = arith.subf %get3A_46, %get3A_42 : vector<16xf32>
      %mul3A_48 = arith.mulf %sub3A, %sub3A_47 : vector<16xf32>
      %broadcast_in_dim3A = arith.constant -1.000000e+00 : f32
      %broadcast_in_dim3A_49 = vector.broadcast %broadcast_in_dim3A : f32 to vector<16xf32>
      %broadcast_in_dim3A_50 = arith.constant 0 : i32
      %broadcast_in_dim3A_51 = vector.broadcast %broadcast_in_dim3A_50 : i32 to vector<16xi32>
      %scan3A_52 = arith.constant 0 : i32
      %scan3A_53 = arith.constant 100 : i32
      %scan3A_54 = arith.addi %scan3A_52, %scan3A_53 : i32
      %scan3A_55 = arith.constant 4 : i32
      %scan3A_56:2 = scf.for %scan3A_240 = %scan3A_52 to %scan3A_54 step %scan3A_55 iter_args(%scan3A_241 = %broadcast_in_dim3A_49, %scan3A_242 = %broadcast_in_dim3A_51) -> (vector<16xf32>, vector<16xi32>)  : i32 {
        %mul3A_243 = arith.constant 16 : i32
        %mul3A_244 = arith.muli %scan3A_240, %mul3A_243 : i32
        %multiple_of3A_245 = tpu.assume_multiple %mul3A_244, 16 : i32
        %get3A_246 = arith.index_cast %multiple_of3A_245 : i32 to index
        %get3A_247 = tpu.vector_load %arg20[%get3A_246] {strides = array<i32>} : memref<1792xf32, #tpu.memory_space<vmem>>, vector<16xf32>,
        %max3A = arith.maximumf %get3A_247, %get3A_40 : vector<16xf32>
        %get3A_248 = arith.index_cast %multiple_of3A_245 : i32 to index
        %get3A_249 = tpu.vector_load %arg21[%get3A_248] {strides = array<i32>} : memref<1792xf32, #tpu.memory_space<vmem>>, vector<16xf32>,
        %max3A_250 = arith.maximumf %get3A_249, %get3A_42 : vector<16xf32>
        %get3A_251 = arith.index_cast %multiple_of3A_245 : i32 to index
        %get3A_252 = tpu.vector_load %arg22[%get3A_251] {strides = array<i32>} : memref<1792xf32, #tpu.memory_space<vmem>>, vector<16xf32>,
        %min3A = arith.minimumf %get3A_252, %get3A_44 : vector<16xf32>
        %get3A_253 = arith.index_cast %multiple_of3A_245 : i32 to index
        %get3A_254 = tpu.vector_load %arg23[%get3A_253] {strides = array<i32>} : memref<1792xf32, #tpu.memory_space<vmem>>, vector<16xf32>,
        %min3A_255 = arith.minimumf %get3A_254, %get3A_46 : vector<16xf32>
        %sub3A_256 = arith.subf %min3A, %max3A : vector<16xf32>
        %max3A_257 = arith.constant 0.000000e+00 : f32
        %max3A_258 = vector.broadcast %max3A_257 : f32 to vector<16xf32>
        %max3A_259 = arith.maximumf %sub3A_256, %max3A_258 : vector<16xf32>
        %sub3A_260 = arith.subf %min3A_255, %max3A_250 : vector<16xf32>
        %max3A_261 = arith.constant 0.000000e+00 : f32
        %max3A_262 = vector.broadcast %max3A_261 : f32 to vector<16xf32>
        %max3A_263 = arith.maximumf %sub3A_260, %max3A_262 : vector<16xf32>
        %mul3A_264 = arith.mulf %max3A_259, %max3A_263 : vector<16xf32>
        %get3A_265 = arith.index_cast %multiple_of3A_245 : i32 to index
        %get3A_266 = tpu.vector_load %arg25[%get3A_265] {strides = array<i32>} : memref<1792xf32, #tpu.memory_space<vmem>>, vector<16xf32>,
        %add3A_267 = arith.addf %get3A_266, %mul3A_48 : vector<16xf32>
        %sub3A_268 = arith.subf %add3A_267, %mul3A_264 : vector<16xf32>
        %div3A_269 = arith.divf %mul3A_264, %sub3A_268 : vector<16xf32>
        %gt3A_270 = arith.cmpf ogt, %div3A_269, %scan3A_241 : vector<16xf32>
        %select_n3A_271 = arith.select %gt3A_270, %div3A_269, %scan3A_241 : vector<16xi1>, vector<16xf32>
        %broadcast_in_dim3A_272 = vector.broadcast %scan3A_240 : i32 to vector<16xi32>
        %select_n3A_273 = arith.select %gt3A_270, %broadcast_in_dim3A_272, %scan3A_242 : vector<16xi1>, vector<16xi32>
        %scan3A_274 = arith.constant 1 : i32
        %scan3A_275 = arith.addi %scan3A_240, %scan3A_274 : i32
        %mul3A_276 = arith.constant 16 : i32
        %mul3A_277 = arith.muli %scan3A_275, %mul3A_276 : i32
        %multiple_of3A_278 = tpu.assume_multiple %mul3A_277, 16 : i32
        %get3A_279 = arith.index_cast %multiple_of3A_278 : i32 to index
        %get3A_280 = tpu.vector_load %arg20[%get3A_279] {strides = array<i32>} : memref<1792xf32, #tpu.memory_space<vmem>>, vector<16xf32>,
        %max3A_281 = arith.maximumf %get3A_280, %get3A_40 : vector<16xf32>
        %get3A_282 = arith.index_cast %multiple_of3A_278 : i32 to index
        %get3A_283 = tpu.vector_load %arg21[%get3A_282] {strides = array<i32>} : memref<1792xf32, #tpu.memory_space<vmem>>, vector<16xf32>,
        %max3A_284 = arith.maximumf %get3A_283, %get3A_42 : vector<16xf32>
        %get3A_285 = arith.index_cast %multiple_of3A_278 : i32 to index
        %get3A_286 = tpu.vector_load %arg22[%get3A_285] {strides = array<i32>} : memref<1792xf32, #tpu.memory_space<vmem>>, vector<16xf32>,
        %min3A_287 = arith.minimumf %get3A_286, %get3A_44 : vector<16xf32>
        %get3A_288 = arith.index_cast %multiple_of3A_278 : i32 to index
        %get3A_289 = tpu.vector_load %arg23[%get3A_288] {strides = array<i32>} : memref<1792xf32, #tpu.memory_space<vmem>>, vector<16xf32>,
        %min3A_290 = arith.minimumf %get3A_289, %get3A_46 : vector<16xf32>
        %sub3A_291 = arith.subf %min3A_287, %max3A_281 : vector<16xf32>
        %max3A_292 = arith.constant 0.000000e+00 : f32
        %max3A_293 = vector.broadcast %max3A_292 : f32 to vector<16xf32>
        %max3A_294 = arith.maximumf %sub3A_291, %max3A_293 : vector<16xf32>
        %sub3A_295 = arith.subf %min3A_290, %max3A_284 : vector<16xf32>
        %max3A_296 = arith.constant 0.000000e+00 : f32
        %max3A_297 = vector.broadcast %max3A_296 : f32 to vector<16xf32>
        %max3A_298 = arith.maximumf %sub3A_295, %max3A_297 : vector<16xf32>
        %mul3A_299 = arith.mulf %max3A_294, %max3A_298 : vector<16xf32>
        %get3A_300 = arith.index_cast %multiple_of3A_278 : i32 to index
        %get3A_301 = tpu.vector_load %arg25[%get3A_300] {strides = array<i32>} : memref<1792xf32, #tpu.memory_space<vmem>>, vector<16xf32>,
        %add3A_302 = arith.addf %get3A_301, %mul3A_48 : vector<16xf32>
        %sub3A_303 = arith.subf %add3A_302, %mul3A_299 : vector<16xf32>
        %div3A_304 = arith.divf %mul3A_299, %sub3A_303 : vector<16xf32>
        %gt3A_305 = arith.cmpf ogt, %div3A_304, %select_n3A_271 : vector<16xf32>
        %select_n3A_306 = arith.select %gt3A_305, %div3A_304, %select_n3A_271 : vector<16xi1>, vector<16xf32>
        %broadcast_in_dim3A_307 = vector.broadcast %scan3A_275 : i32 to vector<16xi32>
        %select_n3A_308 = arith.select %gt3A_305, %broadcast_in_dim3A_307, %select_n3A_273 : vector<16xi1>, vector<16xi32>
        %scan3A_309 = arith.constant 2 : i32
        %scan3A_310 = arith.addi %scan3A_240, %scan3A_309 : i32
        %mul3A_311 = arith.constant 16 : i32
        %mul3A_312 = arith.muli %scan3A_310, %mul3A_311 : i32
        %multiple_of3A_313 = tpu.assume_multiple %mul3A_312, 16 : i32
        %get3A_314 = arith.index_cast %multiple_of3A_313 : i32 to index
        %get3A_315 = tpu.vector_load %arg20[%get3A_314] {strides = array<i32>} : memref<1792xf32, #tpu.memory_space<vmem>>, vector<16xf32>,
        %max3A_316 = arith.maximumf %get3A_315, %get3A_40 : vector<16xf32>
        %get3A_317 = arith.index_cast %multiple_of3A_313 : i32 to index
        %get3A_318 = tpu.vector_load %arg21[%get3A_317] {strides = array<i32>} : memref<1792xf32, #tpu.memory_space<vmem>>, vector<16xf32>,
        %max3A_319 = arith.maximumf %get3A_318, %get3A_42 : vector<16xf32>
        %get3A_320 = arith.index_cast %multiple_of3A_313 : i32 to index
        %get3A_321 = tpu.vector_load %arg22[%get3A_320] {strides = array<i32>} : memref<1792xf32, #tpu.memory_space<vmem>>, vector<16xf32>,
        %min3A_322 = arith.minimumf %get3A_321, %get3A_44 : vector<16xf32>
        %get3A_323 = arith.index_cast %multiple_of3A_313 : i32 to index
        %get3A_324 = tpu.vector_load %arg23[%get3A_323] {strides = array<i32>} : memref<1792xf32, #tpu.memory_space<vmem>>, vector<16xf32>,
        %min3A_325 = arith.minimumf %get3A_324, %get3A_46 : vector<16xf32>
        %sub3A_326 = arith.subf %min3A_322, %max3A_316 : vector<16xf32>
        %max3A_327 = arith.constant 0.000000e+00 : f32
        %max3A_328 = vector.broadcast %max3A_327 : f32 to vector<16xf32>
        %max3A_329 = arith.maximumf %sub3A_326, %max3A_328 : vector<16xf32>
        %sub3A_330 = arith.subf %min3A_325, %max3A_319 : vector<16xf32>
        %max3A_331 = arith.constant 0.000000e+00 : f32
        %max3A_332 = vector.broadcast %max3A_331 : f32 to vector<16xf32>
        %max3A_333 = arith.maximumf %sub3A_330, %max3A_332 : vector<16xf32>
        %mul3A_334 = arith.mulf %max3A_329, %max3A_333 : vector<16xf32>
        %get3A_335 = arith.index_cast %multiple_of3A_313 : i32 to index
        %get3A_336 = tpu.vector_load %arg25[%get3A_335] {strides = array<i32>} : memref<1792xf32, #tpu.memory_space<vmem>>, vector<16xf32>,
        %add3A_337 = arith.addf %get3A_336, %mul3A_48 : vector<16xf32>
        %sub3A_338 = arith.subf %add3A_337, %mul3A_334 : vector<16xf32>
        %div3A_339 = arith.divf %mul3A_334, %sub3A_338 : vector<16xf32>
        %gt3A_340 = arith.cmpf ogt, %div3A_339, %select_n3A_306 : vector<16xf32>
        %select_n3A_341 = arith.select %gt3A_340, %div3A_339, %select_n3A_306 : vector<16xi1>, vector<16xf32>
        %broadcast_in_dim3A_342 = vector.broadcast %scan3A_310 : i32 to vector<16xi32>
        %select_n3A_343 = arith.select %gt3A_340, %broadcast_in_dim3A_342, %select_n3A_308 : vector<16xi1>, vector<16xi32>
        %scan3A_344 = arith.constant 3 : i32
        %scan3A_345 = arith.addi %scan3A_240, %scan3A_344 : i32
        %mul3A_346 = arith.constant 16 : i32
        %mul3A_347 = arith.muli %scan3A_345, %mul3A_346 : i32
        %multiple_of3A_348 = tpu.assume_multiple %mul3A_347, 16 : i32
        %get3A_349 = arith.index_cast %multiple_of3A_348 : i32 to index
        %get3A_350 = tpu.vector_load %arg20[%get3A_349] {strides = array<i32>} : memref<1792xf32, #tpu.memory_space<vmem>>, vector<16xf32>,
        %max3A_351 = arith.maximumf %get3A_350, %get3A_40 : vector<16xf32>
        %get3A_352 = arith.index_cast %multiple_of3A_348 : i32 to index
        %get3A_353 = tpu.vector_load %arg21[%get3A_352] {strides = array<i32>} : memref<1792xf32, #tpu.memory_space<vmem>>, vector<16xf32>,
        %max3A_354 = arith.maximumf %get3A_353, %get3A_42 : vector<16xf32>
        %get3A_355 = arith.index_cast %multiple_of3A_348 : i32 to index
        %get3A_356 = tpu.vector_load %arg22[%get3A_355] {strides = array<i32>} : memref<1792xf32, #tpu.memory_space<vmem>>, vector<16xf32>,
        %min3A_357 = arith.minimumf %get3A_356, %get3A_44 : vector<16xf32>
        %get3A_358 = arith.index_cast %multiple_of3A_348 : i32 to index
        %get3A_359 = tpu.vector_load %arg23[%get3A_358] {strides = array<i32>} : memref<1792xf32, #tpu.memory_space<vmem>>, vector<16xf32>,
        %min3A_360 = arith.minimumf %get3A_359, %get3A_46 : vector<16xf32>
        %sub3A_361 = arith.subf %min3A_357, %max3A_351 : vector<16xf32>
        %max3A_362 = arith.constant 0.000000e+00 : f32
        %max3A_363 = vector.broadcast %max3A_362 : f32 to vector<16xf32>
        %max3A_364 = arith.maximumf %sub3A_361, %max3A_363 : vector<16xf32>
        %sub3A_365 = arith.subf %min3A_360, %max3A_354 : vector<16xf32>
        %max3A_366 = arith.constant 0.000000e+00 : f32
        %max3A_367 = vector.broadcast %max3A_366 : f32 to vector<16xf32>
        %max3A_368 = arith.maximumf %sub3A_365, %max3A_367 : vector<16xf32>
        %mul3A_369 = arith.mulf %max3A_364, %max3A_368 : vector<16xf32>
        %get3A_370 = arith.index_cast %multiple_of3A_348 : i32 to index
        %get3A_371 = tpu.vector_load %arg25[%get3A_370] {strides = array<i32>} : memref<1792xf32, #tpu.memory_space<vmem>>, vector<16xf32>,
        %add3A_372 = arith.addf %get3A_371, %mul3A_48 : vector<16xf32>
        %sub3A_373 = arith.subf %add3A_372, %mul3A_369 : vector<16xf32>
        %div3A_374 = arith.divf %mul3A_369, %sub3A_373 : vector<16xf32>
        %gt3A_375 = arith.cmpf ogt, %div3A_374, %select_n3A_341 : vector<16xf32>
        %select_n3A_376 = arith.select %gt3A_375, %div3A_374, %select_n3A_341 : vector<16xi1>, vector<16xf32>
        %broadcast_in_dim3A_377 = vector.broadcast %scan3A_345 : i32 to vector<16xi32>
        %select_n3A_378 = arith.select %gt3A_375, %broadcast_in_dim3A_377, %select_n3A_343 : vector<16xi1>, vector<16xi32>
        scf.yield %select_n3A_376, %select_n3A_378 : vector<16xf32>, vector<16xi32>
      }
      %scan3A_57 = arith.constant 100 : i32
      %mul3A_58 = arith.constant 16 : i32
      %mul3A_59 = vector.broadcast %mul3A_58 : i32 to vector<16xi32>
      %mul3A_60 = arith.muli %scan3A_56#1, %mul3A_59 : vector<16xi32>
      %add3A_61 = arith.addi %mul3A_60, %iota3A : vector<16xi32>
      %gather3A = tpu.vector_load_idx %arg20[%add3A_61] : memref<1792xf32, #tpu.memory_space<vmem>>[vector<16xi32>], vector<16xf32>,
      %gather3A_62 = tpu.vector_load_idx %arg21[%add3A_61] : memref<1792xf32, #tpu.memory_space<vmem>>[vector<16xi32>], vector<16xf32>,
      %gather3A_63 = tpu.vector_load_idx %arg22[%add3A_61] : memref<1792xf32, #tpu.memory_space<vmem>>[vector<16xi32>], vector<16xf32>,
      %gather3A_64 = tpu.vector_load_idx %arg23[%add3A_61] : memref<1792xf32, #tpu.memory_space<vmem>>[vector<16xi32>], vector<16xf32>,
      %gather3A_65 = tpu.vector_load_idx %arg24[%scan3A_56#1] : memref<112xi32, #tpu.memory_space<vmem>>[vector<16xi32>], vector<16xi32>,
      %add3A_66 = arith.addf %gather3A, %gather3A_63 : vector<16xf32>
      %mul3A_67 = arith.constant 5.000000e-01 : f32
      %mul3A_68 = vector.broadcast %mul3A_67 : f32 to vector<16xf32>
      %mul3A_69 = arith.mulf %mul3A_68, %add3A_66 : vector<16xf32>
      %add3A_70 = arith.addf %get3A_40, %get3A_44 : vector<16xf32>
      %mul3A_71 = arith.constant 5.000000e-01 : f32
      %mul3A_72 = vector.broadcast %mul3A_71 : f32 to vector<16xf32>
      %mul3A_73 = arith.mulf %mul3A_72, %add3A_70 : vector<16xf32>
      %sub3A_74 = arith.subf %mul3A_69, %mul3A_73 : vector<16xf32>
      %mul3A_75 = arith.constant 1.000000e-01 : f32
      %mul3A_76 = vector.broadcast %mul3A_75 : f32 to vector<16xf32>
      %mul3A_77 = arith.mulf %mul3A_76, %sub3A : vector<16xf32>
      %div3A = arith.divf %sub3A_74, %mul3A_77 : vector<16xf32>
      %add3A_78 = arith.addf %gather3A_62, %gather3A_64 : vector<16xf32>
      %mul3A_79 = arith.constant 5.000000e-01 : f32
      %mul3A_80 = vector.broadcast %mul3A_79 : f32 to vector<16xf32>
      %mul3A_81 = arith.mulf %mul3A_80, %add3A_78 : vector<16xf32>
      %add3A_82 = arith.addf %get3A_42, %get3A_46 : vector<16xf32>
      %mul3A_83 = arith.constant 5.000000e-01 : f32
      %mul3A_84 = vector.broadcast %mul3A_83 : f32 to vector<16xf32>
      %mul3A_85 = arith.mulf %mul3A_84, %add3A_82 : vector<16xf32>
      %sub3A_86 = arith.subf %mul3A_81, %mul3A_85 : vector<16xf32>
      %mul3A_87 = arith.constant 1.000000e-01 : f32
      %mul3A_88 = vector.broadcast %mul3A_87 : f32 to vector<16xf32>
      %mul3A_89 = arith.mulf %mul3A_88, %sub3A_47 : vector<16xf32>
      %div3A_90 = arith.divf %sub3A_86, %mul3A_89 : vector<16xf32>
      %sub3A_91 = arith.subf %gather3A_63, %gather3A : vector<16xf32>
      %div3A_92 = arith.divf %sub3A_91, %sub3A : vector<16xf32>
      %add3A_93 = arith.constant 9.99999997E-7 : f32
      %add3A_94 = vector.broadcast %add3A_93 : f32 to vector<16xf32>
      %add3A_95 = arith.addf %div3A_92, %add3A_94 : vector<16xf32>
      %bitcast_convert_type3A = tpu.bitcast %add3A_95 : vector<16xf32> -> vector<16xi32>
      %shift_right_arithmetic3A = arith.constant 23 : i32
      %shift_right_arithmetic3A_96 = vector.broadcast %shift_right_arithmetic3A : i32 to vector<16xi32>
      %shift_right_arithmetic3A_97 = arith.shrsi %bitcast_convert_type3A, %shift_right_arithmetic3A_96 : vector<16xi32>
      %sub3A_98 = arith.constant 127 : i32
      %sub3A_99 = vector.broadcast %sub3A_98 : i32 to vector<16xi32>
      %sub3A_100 = arith.subi %shift_right_arithmetic3A_97, %sub3A_99 : vector<16xi32>
      %and3A = arith.constant 8388607 : i32
      %and3A_101 = vector.broadcast %and3A : i32 to vector<16xi32>
      %and3A_102 = arith.andi %bitcast_convert_type3A, %and3A_101 : vector<16xi32>
      %or3A = arith.constant 1065353216 : i32
      %or3A_103 = vector.broadcast %or3A : i32 to vector<16xi32>
      %or3A_104 = arith.ori %and3A_102, %or3A_103 : vector<16xi32>
      %bitcast_convert_type3A_105 = tpu.bitcast %or3A_104 : vector<16xi32> -> vector<16xf32>
      %gt3A = arith.constant 1.41421354 : f32
      %gt3A_106 = vector.broadcast %gt3A : f32 to vector<16xf32>
      %gt3A_107 = arith.cmpf ogt, %bitcast_convert_type3A_105, %gt3A_106 : vector<16xf32>
      %mul3A_108 = arith.constant 5.000000e-01 : f32
      %mul3A_109 = vector.broadcast %mul3A_108 : f32 to vector<16xf32>
      %mul3A_110 = arith.mulf %mul3A_109, %bitcast_convert_type3A_105 : vector<16xf32>
      %select_n3A_111 = arith.select %gt3A_107, %mul3A_110, %bitcast_convert_type3A_105 : vector<16xi1>, vector<16xf32>
      %add3A_112 = arith.constant 1 : i32
      %add3A_113 = vector.broadcast %add3A_112 : i32 to vector<16xi32>
      %add3A_114 = arith.addi %sub3A_100, %add3A_113 : vector<16xi32>
      %select_n3A_115 = arith.select %gt3A_107, %add3A_114, %sub3A_100 : vector<16xi1>, vector<16xi32>
      %sub3A_116 = arith.constant 1.000000e+00 : f32
      %sub3A_117 = vector.broadcast %sub3A_116 : f32 to vector<16xf32>
      %sub3A_118 = arith.subf %select_n3A_111, %sub3A_117 : vector<16xf32>
      %add3A_119 = arith.constant 1.000000e+00 : f32
      %add3A_120 = vector.broadcast %add3A_119 : f32 to vector<16xf32>
      %add3A_121 = arith.addf %select_n3A_111, %add3A_120 : vector<16xf32>
      %div3A_122 = arith.divf %sub3A_118, %add3A_121 : vector<16xf32>
      %mul3A_123 = arith.mulf %div3A_122, %div3A_122 : vector<16xf32>
      %mul3A_124 = arith.constant 0.111111112 : f32
      %mul3A_125 = vector.broadcast %mul3A_124 : f32 to vector<16xf32>
      %mul3A_126 = arith.mulf %mul3A_123, %mul3A_125 : vector<16xf32>
      %add3A_127 = arith.constant 0.142857149 : f32
      %add3A_128 = vector.broadcast %add3A_127 : f32 to vector<16xf32>
      %add3A_129 = arith.addf %add3A_128, %mul3A_126 : vector<16xf32>
      %mul3A_130 = arith.mulf %mul3A_123, %add3A_129 : vector<16xf32>
      %add3A_131 = arith.constant 2.000000e-01 : f32
      %add3A_132 = vector.broadcast %add3A_131 : f32 to vector<16xf32>
      %add3A_133 = arith.addf %add3A_132, %mul3A_130 : vector<16xf32>
      %mul3A_134 = arith.mulf %mul3A_123, %add3A_133 : vector<16xf32>
      %add3A_135 = arith.constant 0.333333343 : f32
      %add3A_136 = vector.broadcast %add3A_135 : f32 to vector<16xf32>
      %add3A_137 = arith.addf %add3A_136, %mul3A_134 : vector<16xf32>
      %mul3A_138 = arith.mulf %mul3A_123, %add3A_137 : vector<16xf32>
      %add3A_139 = arith.constant 1.000000e+00 : f32
      %add3A_140 = vector.broadcast %add3A_139 : f32 to vector<16xf32>
      %add3A_141 = arith.addf %add3A_140, %mul3A_138 : vector<16xf32>
      %convert_element_type3A_142 = arith.sitofp %select_n3A_115 : vector<16xi32> to vector<16xf32>
      %mul3A_143 = arith.constant 0.693147182 : f32
      %mul3A_144 = vector.broadcast %mul3A_143 : f32 to vector<16xf32>
      %mul3A_145 = arith.mulf %convert_element_type3A_142, %mul3A_144 : vector<16xf32>
      %mul3A_146 = arith.constant 2.000000e+00 : f32
      %mul3A_147 = vector.broadcast %mul3A_146 : f32 to vector<16xf32>
      %mul3A_148 = arith.mulf %mul3A_147, %div3A_122 : vector<16xf32>
      %mul3A_149 = arith.mulf %mul3A_148, %add3A_141 : vector<16xf32>
      %add3A_150 = arith.addf %mul3A_145, %mul3A_149 : vector<16xf32>
      %div3A_151 = arith.constant 2.000000e-01 : f32
      %div3A_152 = vector.broadcast %div3A_151 : f32 to vector<16xf32>
      %div3A_153 = arith.divf %add3A_150, %div3A_152 : vector<16xf32>
      %sub3A_154 = arith.subf %gather3A_64, %gather3A_62 : vector<16xf32>
      %div3A_155 = arith.divf %sub3A_154, %sub3A_47 : vector<16xf32>
      %add3A_156 = arith.constant 9.99999997E-7 : f32
      %add3A_157 = vector.broadcast %add3A_156 : f32 to vector<16xf32>
      %add3A_158 = arith.addf %div3A_155, %add3A_157 : vector<16xf32>
      %bitcast_convert_type3A_159 = tpu.bitcast %add3A_158 : vector<16xf32> -> vector<16xi32>
      %shift_right_arithmetic3A_160 = arith.constant 23 : i32
      %shift_right_arithmetic3A_161 = vector.broadcast %shift_right_arithmetic3A_160 : i32 to vector<16xi32>
      %shift_right_arithmetic3A_162 = arith.shrsi %bitcast_convert_type3A_159, %shift_right_arithmetic3A_161 : vector<16xi32>
      %sub3A_163 = arith.constant 127 : i32
      %sub3A_164 = vector.broadcast %sub3A_163 : i32 to vector<16xi32>
      %sub3A_165 = arith.subi %shift_right_arithmetic3A_162, %sub3A_164 : vector<16xi32>
      %and3A_166 = arith.constant 8388607 : i32
      %and3A_167 = vector.broadcast %and3A_166 : i32 to vector<16xi32>
      %and3A_168 = arith.andi %bitcast_convert_type3A_159, %and3A_167 : vector<16xi32>
      %or3A_169 = arith.constant 1065353216 : i32
      %or3A_170 = vector.broadcast %or3A_169 : i32 to vector<16xi32>
      %or3A_171 = arith.ori %and3A_168, %or3A_170 : vector<16xi32>
      %bitcast_convert_type3A_172 = tpu.bitcast %or3A_171 : vector<16xi32> -> vector<16xf32>
      %gt3A_173 = arith.constant 1.41421354 : f32
      %gt3A_174 = vector.broadcast %gt3A_173 : f32 to vector<16xf32>
      %gt3A_175 = arith.cmpf ogt, %bitcast_convert_type3A_172, %gt3A_174 : vector<16xf32>
      %mul3A_176 = arith.constant 5.000000e-01 : f32
      %mul3A_177 = vector.broadcast %mul3A_176 : f32 to vector<16xf32>
      %mul3A_178 = arith.mulf %mul3A_177, %bitcast_convert_type3A_172 : vector<16xf32>
      %select_n3A_179 = arith.select %gt3A_175, %mul3A_178, %bitcast_convert_type3A_172 : vector<16xi1>, vector<16xf32>
      %add3A_180 = arith.constant 1 : i32
      %add3A_181 = vector.broadcast %add3A_180 : i32 to vector<16xi32>
      %add3A_182 = arith.addi %sub3A_165, %add3A_181 : vector<16xi32>
      %select_n3A_183 = arith.select %gt3A_175, %add3A_182, %sub3A_165 : vector<16xi1>, vector<16xi32>
      %sub3A_184 = arith.constant 1.000000e+00 : f32
      %sub3A_185 = vector.broadcast %sub3A_184 : f32 to vector<16xf32>
      %sub3A_186 = arith.subf %select_n3A_179, %sub3A_185 : vector<16xf32>
      %add3A_187 = arith.constant 1.000000e+00 : f32
      %add3A_188 = vector.broadcast %add3A_187 : f32 to vector<16xf32>
      %add3A_189 = arith.addf %select_n3A_179, %add3A_188 : vector<16xf32>
      %div3A_190 = arith.divf %sub3A_186, %add3A_189 : vector<16xf32>
      %mul3A_191 = arith.mulf %div3A_190, %div3A_190 : vector<16xf32>
      %mul3A_192 = arith.constant 0.111111112 : f32
      %mul3A_193 = vector.broadcast %mul3A_192 : f32 to vector<16xf32>
      %mul3A_194 = arith.mulf %mul3A_191, %mul3A_193 : vector<16xf32>
      %add3A_195 = arith.constant 0.142857149 : f32
      %add3A_196 = vector.broadcast %add3A_195 : f32 to vector<16xf32>
      %add3A_197 = arith.addf %add3A_196, %mul3A_194 : vector<16xf32>
      %mul3A_198 = arith.mulf %mul3A_191, %add3A_197 : vector<16xf32>
      %add3A_199 = arith.constant 2.000000e-01 : f32
      %add3A_200 = vector.broadcast %add3A_199 : f32 to vector<16xf32>
      %add3A_201 = arith.addf %add3A_200, %mul3A_198 : vector<16xf32>
      %mul3A_202 = arith.mulf %mul3A_191, %add3A_201 : vector<16xf32>
      %add3A_203 = arith.constant 0.333333343 : f32
      %add3A_204 = vector.broadcast %add3A_203 : f32 to vector<16xf32>
      %add3A_205 = arith.addf %add3A_204, %mul3A_202 : vector<16xf32>
      %mul3A_206 = arith.mulf %mul3A_191, %add3A_205 : vector<16xf32>
      %add3A_207 = arith.constant 1.000000e+00 : f32
      %add3A_208 = vector.broadcast %add3A_207 : f32 to vector<16xf32>
      %add3A_209 = arith.addf %add3A_208, %mul3A_206 : vector<16xf32>
      %convert_element_type3A_210 = arith.sitofp %select_n3A_183 : vector<16xi32> to vector<16xf32>
      %mul3A_211 = arith.constant 0.693147182 : f32
      %mul3A_212 = vector.broadcast %mul3A_211 : f32 to vector<16xf32>
      %mul3A_213 = arith.mulf %convert_element_type3A_210, %mul3A_212 : vector<16xf32>
      %mul3A_214 = arith.constant 2.000000e+00 : f32
      %mul3A_215 = vector.broadcast %mul3A_214 : f32 to vector<16xf32>
      %mul3A_216 = arith.mulf %mul3A_215, %div3A_190 : vector<16xf32>
      %mul3A_217 = arith.mulf %mul3A_216, %add3A_209 : vector<16xf32>
      %add3A_218 = arith.addf %mul3A_213, %mul3A_217 : vector<16xf32>
      %div3A_219 = arith.constant 2.000000e-01 : f32
      %div3A_220 = vector.broadcast %div3A_219 : f32 to vector<16xf32>
      %div3A_221 = arith.divf %add3A_218, %div3A_220 : vector<16xf32>
      %lt3A = arith.constant 5.000000e-01 : f32
      %lt3A_222 = vector.broadcast %lt3A : f32 to vector<16xf32>
      %lt3A_223 = arith.cmpf olt, %scan3A_56#0, %lt3A_222 : vector<16xf32>
      %add3A_224 = arith.constant 1 : i32
      %add3A_225 = vector.broadcast %add3A_224 : i32 to vector<16xi32>
      %add3A_226 = arith.addi %add3A_225, %gather3A_65 : vector<16xi32>
      %jit3A_227 = arith.constant 0 : i32
      %broadcast_in_dim3A_228 = vector.broadcast %jit3A_227 : i32 to vector<16xi32>
      %select_n3A_229 = arith.select %lt3A_223, %broadcast_in_dim3A_228, %add3A_226 : vector<16xi1>, vector<16xi32>
      %swap3A = arith.index_cast %multiple_of3A_39 : i32 to index
      %swap3A_230 = tpu.vector_load %arg26[%swap3A] {strides = array<i32>} : memref<640xf32, #tpu.memory_space<vmem>>, vector<16xf32>,
      tpu.vector_store %arg26[%swap3A], %div3A {strides = array<i32>} : memref<640xf32, #tpu.memory_space<vmem>>, vector<16xf32>,
      %swap3A_231 = arith.index_cast %multiple_of3A_39 : i32 to index
      %swap3A_232 = tpu.vector_load %arg27[%swap3A_231] {strides = array<i32>} : memref<640xf32, #tpu.memory_space<vmem>>, vector<16xf32>,
      tpu.vector_store %arg27[%swap3A_231], %div3A_90 {strides = array<i32>} : memref<640xf32, #tpu.memory_space<vmem>>, vector<16xf32>,
      %swap3A_233 = arith.index_cast %multiple_of3A_39 : i32 to index
      %swap3A_234 = tpu.vector_load %arg28[%swap3A_233] {strides = array<i32>} : memref<640xf32, #tpu.memory_space<vmem>>, vector<16xf32>,
      tpu.vector_store %arg28[%swap3A_233], %div3A_153 {strides = array<i32>} : memref<640xf32, #tpu.memory_space<vmem>>, vector<16xf32>,
      %swap3A_235 = arith.index_cast %multiple_of3A_39 : i32 to index
      %swap3A_236 = tpu.vector_load %arg29[%swap3A_235] {strides = array<i32>} : memref<640xf32, #tpu.memory_space<vmem>>, vector<16xf32>,
      tpu.vector_store %arg29[%swap3A_235], %div3A_221 {strides = array<i32>} : memref<640xf32, #tpu.memory_space<vmem>>, vector<16xf32>,
      %swap3A_237 = arith.index_cast %multiple_of3A_39 : i32 to index
      %swap3A_238 = tpu.vector_load %arg30[%swap3A_237] {strides = array<i32>} : memref<640xi32, #tpu.memory_space<vmem>>, vector<16xi32>,
      tpu.vector_store %arg30[%swap3A_237], %select_n3A_229 {strides = array<i32>} : memref<640xi32, #tpu.memory_space<vmem>>, vector<16xi32>,
      %while3A_239 = arith.constant 0 : i32
      scf.yield %while3A_239 : i32
    }
    %while3A_25 = arith.constant 1 : i32
    %while3A_26 = scf.for %while3A_35 = %while3A_22 to %while3A_18 step %while3A_25 iter_args(%while3A_36 = %while3A_24) -> (i32)  : i32 {
      %mul3A_37 = arith.constant 16 : i32
      %mul3A_38 = arith.muli %while3A_35, %mul3A_37 : i32
      %multiple_of3A_39 = tpu.assume_multiple %mul3A_38, 16 : i32
      %get3A = arith.index_cast %multiple_of3A_39 : i32 to index
      %get3A_40 = tpu.vector_load %arg16[%get3A] {strides = array<i32>} : memref<640xf32, #tpu.memory_space<vmem>>, vector<16xf32>,
      %get3A_41 = arith.index_cast %multiple_of3A_39 : i32 to index
      %get3A_42 = tpu.vector_load %arg17[%get3A_41] {strides = array<i32>} : memref<640xf32, #tpu.memory_space<vmem>>, vector<16xf32>,
      %get3A_43 = arith.index_cast %multiple_of3A_39 : i32 to index
      %get3A_44 = tpu.vector_load %arg18[%get3A_43] {strides = array<i32>} : memref<640xf32, #tpu.memory_space<vmem>>, vector<16xf32>,
      %get3A_45 = arith.index_cast %multiple_of3A_39 : i32 to index
      %get3A_46 = tpu.vector_load %arg19[%get3A_45] {strides = array<i32>} : memref<640xf32, #tpu.memory_space<vmem>>, vector<16xf32>,
      %sub3A = arith.subf %get3A_44, %get3A_40 : vector<16xf32>
      %sub3A_47 = arith.subf %get3A_46, %get3A_42 : vector<16xf32>
      %mul3A_48 = arith.mulf %sub3A, %sub3A_47 : vector<16xf32>
      %broadcast_in_dim3A = arith.constant -1.000000e+00 : f32
      %broadcast_in_dim3A_49 = vector.broadcast %broadcast_in_dim3A : f32 to vector<16xf32>
      %broadcast_in_dim3A_50 = arith.constant 0 : i32
      %broadcast_in_dim3A_51 = vector.broadcast %broadcast_in_dim3A_50 : i32 to vector<16xi32>
      %scan3A_52 = arith.constant 0 : i32
      %scan3A_53 = arith.constant 100 : i32
      %scan3A_54 = arith.addi %scan3A_52, %scan3A_53 : i32
      %scan3A_55 = arith.constant 4 : i32
      %scan3A_56:2 = scf.for %scan3A_240 = %scan3A_52 to %scan3A_54 step %scan3A_55 iter_args(%scan3A_241 = %broadcast_in_dim3A_49, %scan3A_242 = %broadcast_in_dim3A_51) -> (vector<16xf32>, vector<16xi32>)  : i32 {
        %mul3A_243 = arith.constant 16 : i32
        %mul3A_244 = arith.muli %scan3A_240, %mul3A_243 : i32
        %multiple_of3A_245 = tpu.assume_multiple %mul3A_244, 16 : i32
        %get3A_246 = arith.index_cast %multiple_of3A_245 : i32 to index
        %get3A_247 = tpu.vector_load %arg20[%get3A_246] {strides = array<i32>} : memref<1792xf32, #tpu.memory_space<vmem>>, vector<16xf32>,
        %max3A = arith.maximumf %get3A_247, %get3A_40 : vector<16xf32>
        %get3A_248 = arith.index_cast %multiple_of3A_245 : i32 to index
        %get3A_249 = tpu.vector_load %arg21[%get3A_248] {strides = array<i32>} : memref<1792xf32, #tpu.memory_space<vmem>>, vector<16xf32>,
        %max3A_250 = arith.maximumf %get3A_249, %get3A_42 : vector<16xf32>
        %get3A_251 = arith.index_cast %multiple_of3A_245 : i32 to index
        %get3A_252 = tpu.vector_load %arg22[%get3A_251] {strides = array<i32>} : memref<1792xf32, #tpu.memory_space<vmem>>, vector<16xf32>,
        %min3A = arith.minimumf %get3A_252, %get3A_44 : vector<16xf32>
        %get3A_253 = arith.index_cast %multiple_of3A_245 : i32 to index
        %get3A_254 = tpu.vector_load %arg23[%get3A_253] {strides = array<i32>} : memref<1792xf32, #tpu.memory_space<vmem>>, vector<16xf32>,
        %min3A_255 = arith.minimumf %get3A_254, %get3A_46 : vector<16xf32>
        %sub3A_256 = arith.subf %min3A, %max3A : vector<16xf32>
        %max3A_257 = arith.constant 0.000000e+00 : f32
        %max3A_258 = vector.broadcast %max3A_257 : f32 to vector<16xf32>
        %max3A_259 = arith.maximumf %sub3A_256, %max3A_258 : vector<16xf32>
        %sub3A_260 = arith.subf %min3A_255, %max3A_250 : vector<16xf32>
        %max3A_261 = arith.constant 0.000000e+00 : f32
        %max3A_262 = vector.broadcast %max3A_261 : f32 to vector<16xf32>
        %max3A_263 = arith.maximumf %sub3A_260, %max3A_262 : vector<16xf32>
        %mul3A_264 = arith.mulf %max3A_259, %max3A_263 : vector<16xf32>
        %get3A_265 = arith.index_cast %multiple_of3A_245 : i32 to index
        %get3A_266 = tpu.vector_load %arg25[%get3A_265] {strides = array<i32>} : memref<1792xf32, #tpu.memory_space<vmem>>, vector<16xf32>,
        %add3A_267 = arith.addf %get3A_266, %mul3A_48 : vector<16xf32>
        %sub3A_268 = arith.subf %add3A_267, %mul3A_264 : vector<16xf32>
        %div3A_269 = arith.divf %mul3A_264, %sub3A_268 : vector<16xf32>
        %gt3A_270 = arith.cmpf ogt, %div3A_269, %scan3A_241 : vector<16xf32>
        %select_n3A_271 = arith.select %gt3A_270, %div3A_269, %scan3A_241 : vector<16xi1>, vector<16xf32>
        %broadcast_in_dim3A_272 = vector.broadcast %scan3A_240 : i32 to vector<16xi32>
        %select_n3A_273 = arith.select %gt3A_270, %broadcast_in_dim3A_272, %scan3A_242 : vector<16xi1>, vector<16xi32>
        %scan3A_274 = arith.constant 1 : i32
        %scan3A_275 = arith.addi %scan3A_240, %scan3A_274 : i32
        %mul3A_276 = arith.constant 16 : i32
        %mul3A_277 = arith.muli %scan3A_275, %mul3A_276 : i32
        %multiple_of3A_278 = tpu.assume_multiple %mul3A_277, 16 : i32
        %get3A_279 = arith.index_cast %multiple_of3A_278 : i32 to index
        %get3A_280 = tpu.vector_load %arg20[%get3A_279] {strides = array<i32>} : memref<1792xf32, #tpu.memory_space<vmem>>, vector<16xf32>,
        %max3A_281 = arith.maximumf %get3A_280, %get3A_40 : vector<16xf32>
        %get3A_282 = arith.index_cast %multiple_of3A_278 : i32 to index
        %get3A_283 = tpu.vector_load %arg21[%get3A_282] {strides = array<i32>} : memref<1792xf32, #tpu.memory_space<vmem>>, vector<16xf32>,
        %max3A_284 = arith.maximumf %get3A_283, %get3A_42 : vector<16xf32>
        %get3A_285 = arith.index_cast %multiple_of3A_278 : i32 to index
        %get3A_286 = tpu.vector_load %arg22[%get3A_285] {strides = array<i32>} : memref<1792xf32, #tpu.memory_space<vmem>>, vector<16xf32>,
        %min3A_287 = arith.minimumf %get3A_286, %get3A_44 : vector<16xf32>
        %get3A_288 = arith.index_cast %multiple_of3A_278 : i32 to index
        %get3A_289 = tpu.vector_load %arg23[%get3A_288] {strides = array<i32>} : memref<1792xf32, #tpu.memory_space<vmem>>, vector<16xf32>,
        %min3A_290 = arith.minimumf %get3A_289, %get3A_46 : vector<16xf32>
        %sub3A_291 = arith.subf %min3A_287, %max3A_281 : vector<16xf32>
        %max3A_292 = arith.constant 0.000000e+00 : f32
        %max3A_293 = vector.broadcast %max3A_292 : f32 to vector<16xf32>
        %max3A_294 = arith.maximumf %sub3A_291, %max3A_293 : vector<16xf32>
        %sub3A_295 = arith.subf %min3A_290, %max3A_284 : vector<16xf32>
        %max3A_296 = arith.constant 0.000000e+00 : f32
        %max3A_297 = vector.broadcast %max3A_296 : f32 to vector<16xf32>
        %max3A_298 = arith.maximumf %sub3A_295, %max3A_297 : vector<16xf32>
        %mul3A_299 = arith.mulf %max3A_294, %max3A_298 : vector<16xf32>
        %get3A_300 = arith.index_cast %multiple_of3A_278 : i32 to index
        %get3A_301 = tpu.vector_load %arg25[%get3A_300] {strides = array<i32>} : memref<1792xf32, #tpu.memory_space<vmem>>, vector<16xf32>,
        %add3A_302 = arith.addf %get3A_301, %mul3A_48 : vector<16xf32>
        %sub3A_303 = arith.subf %add3A_302, %mul3A_299 : vector<16xf32>
        %div3A_304 = arith.divf %mul3A_299, %sub3A_303 : vector<16xf32>
        %gt3A_305 = arith.cmpf ogt, %div3A_304, %select_n3A_271 : vector<16xf32>
        %select_n3A_306 = arith.select %gt3A_305, %div3A_304, %select_n3A_271 : vector<16xi1>, vector<16xf32>
        %broadcast_in_dim3A_307 = vector.broadcast %scan3A_275 : i32 to vector<16xi32>
        %select_n3A_308 = arith.select %gt3A_305, %broadcast_in_dim3A_307, %select_n3A_273 : vector<16xi1>, vector<16xi32>
        %scan3A_309 = arith.constant 2 : i32
        %scan3A_310 = arith.addi %scan3A_240, %scan3A_309 : i32
        %mul3A_311 = arith.constant 16 : i32
        %mul3A_312 = arith.muli %scan3A_310, %mul3A_311 : i32
        %multiple_of3A_313 = tpu.assume_multiple %mul3A_312, 16 : i32
        %get3A_314 = arith.index_cast %multiple_of3A_313 : i32 to index
        %get3A_315 = tpu.vector_load %arg20[%get3A_314] {strides = array<i32>} : memref<1792xf32, #tpu.memory_space<vmem>>, vector<16xf32>,
        %max3A_316 = arith.maximumf %get3A_315, %get3A_40 : vector<16xf32>
        %get3A_317 = arith.index_cast %multiple_of3A_313 : i32 to index
        %get3A_318 = tpu.vector_load %arg21[%get3A_317] {strides = array<i32>} : memref<1792xf32, #tpu.memory_space<vmem>>, vector<16xf32>,
        %max3A_319 = arith.maximumf %get3A_318, %get3A_42 : vector<16xf32>
        %get3A_320 = arith.index_cast %multiple_of3A_313 : i32 to index
        %get3A_321 = tpu.vector_load %arg22[%get3A_320] {strides = array<i32>} : memref<1792xf32, #tpu.memory_space<vmem>>, vector<16xf32>,
        %min3A_322 = arith.minimumf %get3A_321, %get3A_44 : vector<16xf32>
        %get3A_323 = arith.index_cast %multiple_of3A_313 : i32 to index
        %get3A_324 = tpu.vector_load %arg23[%get3A_323] {strides = array<i32>} : memref<1792xf32, #tpu.memory_space<vmem>>, vector<16xf32>,
        %min3A_325 = arith.minimumf %get3A_324, %get3A_46 : vector<16xf32>
        %sub3A_326 = arith.subf %min3A_322, %max3A_316 : vector<16xf32>
        %max3A_327 = arith.constant 0.000000e+00 : f32
        %max3A_328 = vector.broadcast %max3A_327 : f32 to vector<16xf32>
        %max3A_329 = arith.maximumf %sub3A_326, %max3A_328 : vector<16xf32>
        %sub3A_330 = arith.subf %min3A_325, %max3A_319 : vector<16xf32>
        %max3A_331 = arith.constant 0.000000e+00 : f32
        %max3A_332 = vector.broadcast %max3A_331 : f32 to vector<16xf32>
        %max3A_333 = arith.maximumf %sub3A_330, %max3A_332 : vector<16xf32>
        %mul3A_334 = arith.mulf %max3A_329, %max3A_333 : vector<16xf32>
        %get3A_335 = arith.index_cast %multiple_of3A_313 : i32 to index
        %get3A_336 = tpu.vector_load %arg25[%get3A_335] {strides = array<i32>} : memref<1792xf32, #tpu.memory_space<vmem>>, vector<16xf32>,
        %add3A_337 = arith.addf %get3A_336, %mul3A_48 : vector<16xf32>
        %sub3A_338 = arith.subf %add3A_337, %mul3A_334 : vector<16xf32>
        %div3A_339 = arith.divf %mul3A_334, %sub3A_338 : vector<16xf32>
        %gt3A_340 = arith.cmpf ogt, %div3A_339, %select_n3A_306 : vector<16xf32>
        %select_n3A_341 = arith.select %gt3A_340, %div3A_339, %select_n3A_306 : vector<16xi1>, vector<16xf32>
        %broadcast_in_dim3A_342 = vector.broadcast %scan3A_310 : i32 to vector<16xi32>
        %select_n3A_343 = arith.select %gt3A_340, %broadcast_in_dim3A_342, %select_n3A_308 : vector<16xi1>, vector<16xi32>
        %scan3A_344 = arith.constant 3 : i32
        %scan3A_345 = arith.addi %scan3A_240, %scan3A_344 : i32
        %mul3A_346 = arith.constant 16 : i32
        %mul3A_347 = arith.muli %scan3A_345, %mul3A_346 : i32
        %multiple_of3A_348 = tpu.assume_multiple %mul3A_347, 16 : i32
        %get3A_349 = arith.index_cast %multiple_of3A_348 : i32 to index
        %get3A_350 = tpu.vector_load %arg20[%get3A_349] {strides = array<i32>} : memref<1792xf32, #tpu.memory_space<vmem>>, vector<16xf32>,
        %max3A_351 = arith.maximumf %get3A_350, %get3A_40 : vector<16xf32>
        %get3A_352 = arith.index_cast %multiple_of3A_348 : i32 to index
        %get3A_353 = tpu.vector_load %arg21[%get3A_352] {strides = array<i32>} : memref<1792xf32, #tpu.memory_space<vmem>>, vector<16xf32>,
        %max3A_354 = arith.maximumf %get3A_353, %get3A_42 : vector<16xf32>
        %get3A_355 = arith.index_cast %multiple_of3A_348 : i32 to index
        %get3A_356 = tpu.vector_load %arg22[%get3A_355] {strides = array<i32>} : memref<1792xf32, #tpu.memory_space<vmem>>, vector<16xf32>,
        %min3A_357 = arith.minimumf %get3A_356, %get3A_44 : vector<16xf32>
        %get3A_358 = arith.index_cast %multiple_of3A_348 : i32 to index
        %get3A_359 = tpu.vector_load %arg23[%get3A_358] {strides = array<i32>} : memref<1792xf32, #tpu.memory_space<vmem>>, vector<16xf32>,
        %min3A_360 = arith.minimumf %get3A_359, %get3A_46 : vector<16xf32>
        %sub3A_361 = arith.subf %min3A_357, %max3A_351 : vector<16xf32>
        %max3A_362 = arith.constant 0.000000e+00 : f32
        %max3A_363 = vector.broadcast %max3A_362 : f32 to vector<16xf32>
        %max3A_364 = arith.maximumf %sub3A_361, %max3A_363 : vector<16xf32>
        %sub3A_365 = arith.subf %min3A_360, %max3A_354 : vector<16xf32>
        %max3A_366 = arith.constant 0.000000e+00 : f32
        %max3A_367 = vector.broadcast %max3A_366 : f32 to vector<16xf32>
        %max3A_368 = arith.maximumf %sub3A_365, %max3A_367 : vector<16xf32>
        %mul3A_369 = arith.mulf %max3A_364, %max3A_368 : vector<16xf32>
        %get3A_370 = arith.index_cast %multiple_of3A_348 : i32 to index
        %get3A_371 = tpu.vector_load %arg25[%get3A_370] {strides = array<i32>} : memref<1792xf32, #tpu.memory_space<vmem>>, vector<16xf32>,
        %add3A_372 = arith.addf %get3A_371, %mul3A_48 : vector<16xf32>
        %sub3A_373 = arith.subf %add3A_372, %mul3A_369 : vector<16xf32>
        %div3A_374 = arith.divf %mul3A_369, %sub3A_373 : vector<16xf32>
        %gt3A_375 = arith.cmpf ogt, %div3A_374, %select_n3A_341 : vector<16xf32>
        %select_n3A_376 = arith.select %gt3A_375, %div3A_374, %select_n3A_341 : vector<16xi1>, vector<16xf32>
        %broadcast_in_dim3A_377 = vector.broadcast %scan3A_345 : i32 to vector<16xi32>
        %select_n3A_378 = arith.select %gt3A_375, %broadcast_in_dim3A_377, %select_n3A_343 : vector<16xi1>, vector<16xi32>
        scf.yield %select_n3A_376, %select_n3A_378 : vector<16xf32>, vector<16xi32>
      }
      %scan3A_57 = arith.constant 100 : i32
      %mul3A_58 = arith.constant 16 : i32
      %mul3A_59 = vector.broadcast %mul3A_58 : i32 to vector<16xi32>
      %mul3A_60 = arith.muli %scan3A_56#1, %mul3A_59 : vector<16xi32>
      %add3A_61 = arith.addi %mul3A_60, %iota3A : vector<16xi32>
      %gather3A = tpu.vector_load_idx %arg20[%add3A_61] : memref<1792xf32, #tpu.memory_space<vmem>>[vector<16xi32>], vector<16xf32>,
      %gather3A_62 = tpu.vector_load_idx %arg21[%add3A_61] : memref<1792xf32, #tpu.memory_space<vmem>>[vector<16xi32>], vector<16xf32>,
      %gather3A_63 = tpu.vector_load_idx %arg22[%add3A_61] : memref<1792xf32, #tpu.memory_space<vmem>>[vector<16xi32>], vector<16xf32>,
      %gather3A_64 = tpu.vector_load_idx %arg23[%add3A_61] : memref<1792xf32, #tpu.memory_space<vmem>>[vector<16xi32>], vector<16xf32>,
      %gather3A_65 = tpu.vector_load_idx %arg24[%scan3A_56#1] : memref<112xi32, #tpu.memory_space<vmem>>[vector<16xi32>], vector<16xi32>,
      %add3A_66 = arith.addf %gather3A, %gather3A_63 : vector<16xf32>
      %mul3A_67 = arith.constant 5.000000e-01 : f32
      %mul3A_68 = vector.broadcast %mul3A_67 : f32 to vector<16xf32>
      %mul3A_69 = arith.mulf %mul3A_68, %add3A_66 : vector<16xf32>
      %add3A_70 = arith.addf %get3A_40, %get3A_44 : vector<16xf32>
      %mul3A_71 = arith.constant 5.000000e-01 : f32
      %mul3A_72 = vector.broadcast %mul3A_71 : f32 to vector<16xf32>
      %mul3A_73 = arith.mulf %mul3A_72, %add3A_70 : vector<16xf32>
      %sub3A_74 = arith.subf %mul3A_69, %mul3A_73 : vector<16xf32>
      %mul3A_75 = arith.constant 1.000000e-01 : f32
      %mul3A_76 = vector.broadcast %mul3A_75 : f32 to vector<16xf32>
      %mul3A_77 = arith.mulf %mul3A_76, %sub3A : vector<16xf32>
      %div3A = arith.divf %sub3A_74, %mul3A_77 : vector<16xf32>
      %add3A_78 = arith.addf %gather3A_62, %gather3A_64 : vector<16xf32>
      %mul3A_79 = arith.constant 5.000000e-01 : f32
      %mul3A_80 = vector.broadcast %mul3A_79 : f32 to vector<16xf32>
      %mul3A_81 = arith.mulf %mul3A_80, %add3A_78 : vector<16xf32>
      %add3A_82 = arith.addf %get3A_42, %get3A_46 : vector<16xf32>
      %mul3A_83 = arith.constant 5.000000e-01 : f32
      %mul3A_84 = vector.broadcast %mul3A_83 : f32 to vector<16xf32>
      %mul3A_85 = arith.mulf %mul3A_84, %add3A_82 : vector<16xf32>
      %sub3A_86 = arith.subf %mul3A_81, %mul3A_85 : vector<16xf32>
      %mul3A_87 = arith.constant 1.000000e-01 : f32
      %mul3A_88 = vector.broadcast %mul3A_87 : f32 to vector<16xf32>
      %mul3A_89 = arith.mulf %mul3A_88, %sub3A_47 : vector<16xf32>
      %div3A_90 = arith.divf %sub3A_86, %mul3A_89 : vector<16xf32>
      %sub3A_91 = arith.subf %gather3A_63, %gather3A : vector<16xf32>
      %div3A_92 = arith.divf %sub3A_91, %sub3A : vector<16xf32>
      %add3A_93 = arith.constant 9.99999997E-7 : f32
      %add3A_94 = vector.broadcast %add3A_93 : f32 to vector<16xf32>
      %add3A_95 = arith.addf %div3A_92, %add3A_94 : vector<16xf32>
      %bitcast_convert_type3A = tpu.bitcast %add3A_95 : vector<16xf32> -> vector<16xi32>
      %shift_right_arithmetic3A = arith.constant 23 : i32
      %shift_right_arithmetic3A_96 = vector.broadcast %shift_right_arithmetic3A : i32 to vector<16xi32>
      %shift_right_arithmetic3A_97 = arith.shrsi %bitcast_convert_type3A, %shift_right_arithmetic3A_96 : vector<16xi32>
      %sub3A_98 = arith.constant 127 : i32
      %sub3A_99 = vector.broadcast %sub3A_98 : i32 to vector<16xi32>
      %sub3A_100 = arith.subi %shift_right_arithmetic3A_97, %sub3A_99 : vector<16xi32>
      %and3A = arith.constant 8388607 : i32
      %and3A_101 = vector.broadcast %and3A : i32 to vector<16xi32>
      %and3A_102 = arith.andi %bitcast_convert_type3A, %and3A_101 : vector<16xi32>
      %or3A = arith.constant 1065353216 : i32
      %or3A_103 = vector.broadcast %or3A : i32 to vector<16xi32>
      %or3A_104 = arith.ori %and3A_102, %or3A_103 : vector<16xi32>
      %bitcast_convert_type3A_105 = tpu.bitcast %or3A_104 : vector<16xi32> -> vector<16xf32>
      %gt3A = arith.constant 1.41421354 : f32
      %gt3A_106 = vector.broadcast %gt3A : f32 to vector<16xf32>
      %gt3A_107 = arith.cmpf ogt, %bitcast_convert_type3A_105, %gt3A_106 : vector<16xf32>
      %mul3A_108 = arith.constant 5.000000e-01 : f32
      %mul3A_109 = vector.broadcast %mul3A_108 : f32 to vector<16xf32>
      %mul3A_110 = arith.mulf %mul3A_109, %bitcast_convert_type3A_105 : vector<16xf32>
      %select_n3A_111 = arith.select %gt3A_107, %mul3A_110, %bitcast_convert_type3A_105 : vector<16xi1>, vector<16xf32>
      %add3A_112 = arith.constant 1 : i32
      %add3A_113 = vector.broadcast %add3A_112 : i32 to vector<16xi32>
      %add3A_114 = arith.addi %sub3A_100, %add3A_113 : vector<16xi32>
      %select_n3A_115 = arith.select %gt3A_107, %add3A_114, %sub3A_100 : vector<16xi1>, vector<16xi32>
      %sub3A_116 = arith.constant 1.000000e+00 : f32
      %sub3A_117 = vector.broadcast %sub3A_116 : f32 to vector<16xf32>
      %sub3A_118 = arith.subf %select_n3A_111, %sub3A_117 : vector<16xf32>
      %add3A_119 = arith.constant 1.000000e+00 : f32
      %add3A_120 = vector.broadcast %add3A_119 : f32 to vector<16xf32>
      %add3A_121 = arith.addf %select_n3A_111, %add3A_120 : vector<16xf32>
      %div3A_122 = arith.divf %sub3A_118, %add3A_121 : vector<16xf32>
      %mul3A_123 = arith.mulf %div3A_122, %div3A_122 : vector<16xf32>
      %mul3A_124 = arith.constant 0.111111112 : f32
      %mul3A_125 = vector.broadcast %mul3A_124 : f32 to vector<16xf32>
      %mul3A_126 = arith.mulf %mul3A_123, %mul3A_125 : vector<16xf32>
      %add3A_127 = arith.constant 0.142857149 : f32
      %add3A_128 = vector.broadcast %add3A_127 : f32 to vector<16xf32>
      %add3A_129 = arith.addf %add3A_128, %mul3A_126 : vector<16xf32>
      %mul3A_130 = arith.mulf %mul3A_123, %add3A_129 : vector<16xf32>
      %add3A_131 = arith.constant 2.000000e-01 : f32
      %add3A_132 = vector.broadcast %add3A_131 : f32 to vector<16xf32>
      %add3A_133 = arith.addf %add3A_132, %mul3A_130 : vector<16xf32>
      %mul3A_134 = arith.mulf %mul3A_123, %add3A_133 : vector<16xf32>
      %add3A_135 = arith.constant 0.333333343 : f32
      %add3A_136 = vector.broadcast %add3A_135 : f32 to vector<16xf32>
      %add3A_137 = arith.addf %add3A_136, %mul3A_134 : vector<16xf32>
      %mul3A_138 = arith.mulf %mul3A_123, %add3A_137 : vector<16xf32>
      %add3A_139 = arith.constant 1.000000e+00 : f32
      %add3A_140 = vector.broadcast %add3A_139 : f32 to vector<16xf32>
      %add3A_141 = arith.addf %add3A_140, %mul3A_138 : vector<16xf32>
      %convert_element_type3A_142 = arith.sitofp %select_n3A_115 : vector<16xi32> to vector<16xf32>
      %mul3A_143 = arith.constant 0.693147182 : f32
      %mul3A_144 = vector.broadcast %mul3A_143 : f32 to vector<16xf32>
      %mul3A_145 = arith.mulf %convert_element_type3A_142, %mul3A_144 : vector<16xf32>
      %mul3A_146 = arith.constant 2.000000e+00 : f32
      %mul3A_147 = vector.broadcast %mul3A_146 : f32 to vector<16xf32>
      %mul3A_148 = arith.mulf %mul3A_147, %div3A_122 : vector<16xf32>
      %mul3A_149 = arith.mulf %mul3A_148, %add3A_141 : vector<16xf32>
      %add3A_150 = arith.addf %mul3A_145, %mul3A_149 : vector<16xf32>
      %div3A_151 = arith.constant 2.000000e-01 : f32
      %div3A_152 = vector.broadcast %div3A_151 : f32 to vector<16xf32>
      %div3A_153 = arith.divf %add3A_150, %div3A_152 : vector<16xf32>
      %sub3A_154 = arith.subf %gather3A_64, %gather3A_62 : vector<16xf32>
      %div3A_155 = arith.divf %sub3A_154, %sub3A_47 : vector<16xf32>
      %add3A_156 = arith.constant 9.99999997E-7 : f32
      %add3A_157 = vector.broadcast %add3A_156 : f32 to vector<16xf32>
      %add3A_158 = arith.addf %div3A_155, %add3A_157 : vector<16xf32>
      %bitcast_convert_type3A_159 = tpu.bitcast %add3A_158 : vector<16xf32> -> vector<16xi32>
      %shift_right_arithmetic3A_160 = arith.constant 23 : i32
      %shift_right_arithmetic3A_161 = vector.broadcast %shift_right_arithmetic3A_160 : i32 to vector<16xi32>
      %shift_right_arithmetic3A_162 = arith.shrsi %bitcast_convert_type3A_159, %shift_right_arithmetic3A_161 : vector<16xi32>
      %sub3A_163 = arith.constant 127 : i32
      %sub3A_164 = vector.broadcast %sub3A_163 : i32 to vector<16xi32>
      %sub3A_165 = arith.subi %shift_right_arithmetic3A_162, %sub3A_164 : vector<16xi32>
      %and3A_166 = arith.constant 8388607 : i32
      %and3A_167 = vector.broadcast %and3A_166 : i32 to vector<16xi32>
      %and3A_168 = arith.andi %bitcast_convert_type3A_159, %and3A_167 : vector<16xi32>
      %or3A_169 = arith.constant 1065353216 : i32
      %or3A_170 = vector.broadcast %or3A_169 : i32 to vector<16xi32>
      %or3A_171 = arith.ori %and3A_168, %or3A_170 : vector<16xi32>
      %bitcast_convert_type3A_172 = tpu.bitcast %or3A_171 : vector<16xi32> -> vector<16xf32>
      %gt3A_173 = arith.constant 1.41421354 : f32
      %gt3A_174 = vector.broadcast %gt3A_173 : f32 to vector<16xf32>
      %gt3A_175 = arith.cmpf ogt, %bitcast_convert_type3A_172, %gt3A_174 : vector<16xf32>
      %mul3A_176 = arith.constant 5.000000e-01 : f32
      %mul3A_177 = vector.broadcast %mul3A_176 : f32 to vector<16xf32>
      %mul3A_178 = arith.mulf %mul3A_177, %bitcast_convert_type3A_172 : vector<16xf32>
      %select_n3A_179 = arith.select %gt3A_175, %mul3A_178, %bitcast_convert_type3A_172 : vector<16xi1>, vector<16xf32>
      %add3A_180 = arith.constant 1 : i32
      %add3A_181 = vector.broadcast %add3A_180 : i32 to vector<16xi32>
      %add3A_182 = arith.addi %sub3A_165, %add3A_181 : vector<16xi32>
      %select_n3A_183 = arith.select %gt3A_175, %add3A_182, %sub3A_165 : vector<16xi1>, vector<16xi32>
      %sub3A_184 = arith.constant 1.000000e+00 : f32
      %sub3A_185 = vector.broadcast %sub3A_184 : f32 to vector<16xf32>
      %sub3A_186 = arith.subf %select_n3A_179, %sub3A_185 : vector<16xf32>
      %add3A_187 = arith.constant 1.000000e+00 : f32
      %add3A_188 = vector.broadcast %add3A_187 : f32 to vector<16xf32>
      %add3A_189 = arith.addf %select_n3A_179, %add3A_188 : vector<16xf32>
      %div3A_190 = arith.divf %sub3A_186, %add3A_189 : vector<16xf32>
      %mul3A_191 = arith.mulf %div3A_190, %div3A_190 : vector<16xf32>
      %mul3A_192 = arith.constant 0.111111112 : f32
      %mul3A_193 = vector.broadcast %mul3A_192 : f32 to vector<16xf32>
      %mul3A_194 = arith.mulf %mul3A_191, %mul3A_193 : vector<16xf32>
      %add3A_195 = arith.constant 0.142857149 : f32
      %add3A_196 = vector.broadcast %add3A_195 : f32 to vector<16xf32>
      %add3A_197 = arith.addf %add3A_196, %mul3A_194 : vector<16xf32>
      %mul3A_198 = arith.mulf %mul3A_191, %add3A_197 : vector<16xf32>
      %add3A_199 = arith.constant 2.000000e-01 : f32
      %add3A_200 = vector.broadcast %add3A_199 : f32 to vector<16xf32>
      %add3A_201 = arith.addf %add3A_200, %mul3A_198 : vector<16xf32>
      %mul3A_202 = arith.mulf %mul3A_191, %add3A_201 : vector<16xf32>
      %add3A_203 = arith.constant 0.333333343 : f32
      %add3A_204 = vector.broadcast %add3A_203 : f32 to vector<16xf32>
      %add3A_205 = arith.addf %add3A_204, %mul3A_202 : vector<16xf32>
      %mul3A_206 = arith.mulf %mul3A_191, %add3A_205 : vector<16xf32>
      %add3A_207 = arith.constant 1.000000e+00 : f32
      %add3A_208 = vector.broadcast %add3A_207 : f32 to vector<16xf32>
      %add3A_209 = arith.addf %add3A_208, %mul3A_206 : vector<16xf32>
      %convert_element_type3A_210 = arith.sitofp %select_n3A_183 : vector<16xi32> to vector<16xf32>
      %mul3A_211 = arith.constant 0.693147182 : f32
      %mul3A_212 = vector.broadcast %mul3A_211 : f32 to vector<16xf32>
      %mul3A_213 = arith.mulf %convert_element_type3A_210, %mul3A_212 : vector<16xf32>
      %mul3A_214 = arith.constant 2.000000e+00 : f32
      %mul3A_215 = vector.broadcast %mul3A_214 : f32 to vector<16xf32>
      %mul3A_216 = arith.mulf %mul3A_215, %div3A_190 : vector<16xf32>
      %mul3A_217 = arith.mulf %mul3A_216, %add3A_209 : vector<16xf32>
      %add3A_218 = arith.addf %mul3A_213, %mul3A_217 : vector<16xf32>
      %div3A_219 = arith.constant 2.000000e-01 : f32
      %div3A_220 = vector.broadcast %div3A_219 : f32 to vector<16xf32>
      %div3A_221 = arith.divf %add3A_218, %div3A_220 : vector<16xf32>
      %lt3A = arith.constant 5.000000e-01 : f32
      %lt3A_222 = vector.broadcast %lt3A : f32 to vector<16xf32>
      %lt3A_223 = arith.cmpf olt, %scan3A_56#0, %lt3A_222 : vector<16xf32>
      %add3A_224 = arith.constant 1 : i32
      %add3A_225 = vector.broadcast %add3A_224 : i32 to vector<16xi32>
      %add3A_226 = arith.addi %add3A_225, %gather3A_65 : vector<16xi32>
      %jit3A_227 = arith.constant 0 : i32
      %broadcast_in_dim3A_228 = vector.broadcast %jit3A_227 : i32 to vector<16xi32>
      %select_n3A_229 = arith.select %lt3A_223, %broadcast_in_dim3A_228, %add3A_226 : vector<16xi1>, vector<16xi32>
      %swap3A = arith.index_cast %multiple_of3A_39 : i32 to index
      %swap3A_230 = tpu.vector_load %arg26[%swap3A] {strides = array<i32>} : memref<640xf32, #tpu.memory_space<vmem>>, vector<16xf32>,
      tpu.vector_store %arg26[%swap3A], %div3A {strides = array<i32>} : memref<640xf32, #tpu.memory_space<vmem>>, vector<16xf32>,
      %swap3A_231 = arith.index_cast %multiple_of3A_39 : i32 to index
      %swap3A_232 = tpu.vector_load %arg27[%swap3A_231] {strides = array<i32>} : memref<640xf32, #tpu.memory_space<vmem>>, vector<16xf32>,
      tpu.vector_store %arg27[%swap3A_231], %div3A_90 {strides = array<i32>} : memref<640xf32, #tpu.memory_space<vmem>>, vector<16xf32>,
      %swap3A_233 = arith.index_cast %multiple_of3A_39 : i32 to index
      %swap3A_234 = tpu.vector_load %arg28[%swap3A_233] {strides = array<i32>} : memref<640xf32, #tpu.memory_space<vmem>>, vector<16xf32>,
      tpu.vector_store %arg28[%swap3A_233], %div3A_153 {strides = array<i32>} : memref<640xf32, #tpu.memory_space<vmem>>, vector<16xf32>,
      %swap3A_235 = arith.index_cast %multiple_of3A_39 : i32 to index
      %swap3A_236 = tpu.vector_load %arg29[%swap3A_235] {strides = array<i32>} : memref<640xf32, #tpu.memory_space<vmem>>, vector<16xf32>,
      tpu.vector_store %arg29[%swap3A_235], %div3A_221 {strides = array<i32>} : memref<640xf32, #tpu.memory_space<vmem>>, vector<16xf32>,
      %swap3A_237 = arith.index_cast %multiple_of3A_39 : i32 to index
      %swap3A_238 = tpu.vector_load %arg30[%swap3A_237] {strides = array<i32>} : memref<640xi32, #tpu.memory_space<vmem>>, vector<16xi32>,
      tpu.vector_store %arg30[%swap3A_237], %select_n3A_229 {strides = array<i32>} : memref<640xi32, #tpu.memory_space<vmem>>, vector<16xi32>,
      %while3A_239 = arith.constant 0 : i32
      scf.yield %while3A_239 : i32
    }
    %not3A_27 = arith.constant true
    %not3A_28 = arith.xori %eq3A_3, %not3A_27 : i1
    %convert_element_type3A_29 = arith.extui %not3A_28 : i1 to i32
    %cond3A_30 = arith.constant 0 : i32
    %cond3A_31 = arith.cmpi ne, %convert_element_type3A_29, %cond3A_30 : i32
    scf.if %cond3A_31 {
      "tpu.region"() ({
        %run_scoped3A = tpu.sem_alloc : memref<!tpu.dma_semaphore, #tpu.memory_space<semaphore_mem>>
        %dma_start3A = arith.constant 0 : i32
        %dma_start3A_35 = tpu.memref_slice %arg26[%dma_start3A] : memref<640xf32, #tpu.memory_space<vmem>> -> memref<640xf32, #tpu.memory_space<vmem>>
        %dma_start3A_36 = tpu.memref_slice %arg11[%multiple_of3A] : memref<20000xf32, #tpu.memory_space<hbm>> -> memref<640xf32, #tpu.memory_space<hbm>>
        %dma_start3A_37 = tpu.memref_slice %arg11[%multiple_of3A] : memref<20000xf32, #tpu.memory_space<hbm>> -> memref<640xf32, #tpu.memory_space<hbm>>
        %dma_start3A_38 = arith.constant 0 : i32
        %dma_start3A_39 = tpu.memref_slice %arg26[%dma_start3A_38] : memref<640xf32, #tpu.memory_space<vmem>> -> memref<640xf32, #tpu.memory_space<vmem>>
        tpu.enqueue_dma source(%dma_start3A_39 : memref<640xf32, #tpu.memory_space<vmem>>) target(%dma_start3A_37 : memref<640xf32, #tpu.memory_space<hbm>>) target_semaphore(%run_scoped3A : memref<!tpu.dma_semaphore, #tpu.memory_space<semaphore_mem>>)
        %dma_wait3A = arith.constant 0 : i32
        %dma_wait3A_40 = tpu.memref_slice %arg26[%dma_wait3A] : memref<640xf32, #tpu.memory_space<vmem>> -> memref<640xf32, #tpu.memory_space<vmem>>
        %dma_wait3A_41 = tpu.memref_slice %arg11[%multiple_of3A] : memref<20000xf32, #tpu.memory_space<hbm>> -> memref<640xf32, #tpu.memory_space<hbm>>
        %dma_wait3A_42 = tpu.memref_slice %arg11[%multiple_of3A] : memref<20000xf32, #tpu.memory_space<hbm>> -> memref<640xf32, #tpu.memory_space<hbm>>
        %dma_wait3A_43 = arith.constant 0 : i32
        %dma_wait3A_44 = tpu.memref_slice %arg26[%dma_wait3A_43] : memref<640xf32, #tpu.memory_space<vmem>> -> memref<640xf32, #tpu.memory_space<vmem>>
        tpu.wait_dma2 semaphore(%run_scoped3A : memref<!tpu.dma_semaphore, #tpu.memory_space<semaphore_mem>>) src(%dma_wait3A_44 : memref<640xf32, #tpu.memory_space<vmem>>) dst(%dma_wait3A_42 : memref<640xf32, #tpu.memory_space<hbm>>)
        tpu.yield
      }) : () -> ()
      "tpu.region"() ({
        %run_scoped3A = tpu.sem_alloc : memref<!tpu.dma_semaphore, #tpu.memory_space<semaphore_mem>>
        %dma_start3A = arith.constant 0 : i32
        %dma_start3A_35 = tpu.memref_slice %arg27[%dma_start3A] : memref<640xf32, #tpu.memory_space<vmem>> -> memref<640xf32, #tpu.memory_space<vmem>>
        %dma_start3A_36 = tpu.memref_slice %arg12[%multiple_of3A] : memref<20000xf32, #tpu.memory_space<hbm>> -> memref<640xf32, #tpu.memory_space<hbm>>
        %dma_start3A_37 = tpu.memref_slice %arg12[%multiple_of3A] : memref<20000xf32, #tpu.memory_space<hbm>> -> memref<640xf32, #tpu.memory_space<hbm>>
        %dma_start3A_38 = arith.constant 0 : i32
        %dma_start3A_39 = tpu.memref_slice %arg27[%dma_start3A_38] : memref<640xf32, #tpu.memory_space<vmem>> -> memref<640xf32, #tpu.memory_space<vmem>>
        tpu.enqueue_dma source(%dma_start3A_39 : memref<640xf32, #tpu.memory_space<vmem>>) target(%dma_start3A_37 : memref<640xf32, #tpu.memory_space<hbm>>) target_semaphore(%run_scoped3A : memref<!tpu.dma_semaphore, #tpu.memory_space<semaphore_mem>>)
        %dma_wait3A = arith.constant 0 : i32
        %dma_wait3A_40 = tpu.memref_slice %arg27[%dma_wait3A] : memref<640xf32, #tpu.memory_space<vmem>> -> memref<640xf32, #tpu.memory_space<vmem>>
        %dma_wait3A_41 = tpu.memref_slice %arg12[%multiple_of3A] : memref<20000xf32, #tpu.memory_space<hbm>> -> memref<640xf32, #tpu.memory_space<hbm>>
        %dma_wait3A_42 = tpu.memref_slice %arg12[%multiple_of3A] : memref<20000xf32, #tpu.memory_space<hbm>> -> memref<640xf32, #tpu.memory_space<hbm>>
        %dma_wait3A_43 = arith.constant 0 : i32
        %dma_wait3A_44 = tpu.memref_slice %arg27[%dma_wait3A_43] : memref<640xf32, #tpu.memory_space<vmem>> -> memref<640xf32, #tpu.memory_space<vmem>>
        tpu.wait_dma2 semaphore(%run_scoped3A : memref<!tpu.dma_semaphore, #tpu.memory_space<semaphore_mem>>) src(%dma_wait3A_44 : memref<640xf32, #tpu.memory_space<vmem>>) dst(%dma_wait3A_42 : memref<640xf32, #tpu.memory_space<hbm>>)
        tpu.yield
      }) : () -> ()
      "tpu.region"() ({
        %run_scoped3A = tpu.sem_alloc : memref<!tpu.dma_semaphore, #tpu.memory_space<semaphore_mem>>
        %dma_start3A = arith.constant 0 : i32
        %dma_start3A_35 = tpu.memref_slice %arg28[%dma_start3A] : memref<640xf32, #tpu.memory_space<vmem>> -> memref<640xf32, #tpu.memory_space<vmem>>
        %dma_start3A_36 = tpu.memref_slice %arg13[%multiple_of3A] : memref<20000xf32, #tpu.memory_space<hbm>> -> memref<640xf32, #tpu.memory_space<hbm>>
        %dma_start3A_37 = tpu.memref_slice %arg13[%multiple_of3A] : memref<20000xf32, #tpu.memory_space<hbm>> -> memref<640xf32, #tpu.memory_space<hbm>>
        %dma_start3A_38 = arith.constant 0 : i32
        %dma_start3A_39 = tpu.memref_slice %arg28[%dma_start3A_38] : memref<640xf32, #tpu.memory_space<vmem>> -> memref<640xf32, #tpu.memory_space<vmem>>
        tpu.enqueue_dma source(%dma_start3A_39 : memref<640xf32, #tpu.memory_space<vmem>>) target(%dma_start3A_37 : memref<640xf32, #tpu.memory_space<hbm>>) target_semaphore(%run_scoped3A : memref<!tpu.dma_semaphore, #tpu.memory_space<semaphore_mem>>)
        %dma_wait3A = arith.constant 0 : i32
        %dma_wait3A_40 = tpu.memref_slice %arg28[%dma_wait3A] : memref<640xf32, #tpu.memory_space<vmem>> -> memref<640xf32, #tpu.memory_space<vmem>>
        %dma_wait3A_41 = tpu.memref_slice %arg13[%multiple_of3A] : memref<20000xf32, #tpu.memory_space<hbm>> -> memref<640xf32, #tpu.memory_space<hbm>>
        %dma_wait3A_42 = tpu.memref_slice %arg13[%multiple_of3A] : memref<20000xf32, #tpu.memory_space<hbm>> -> memref<640xf32, #tpu.memory_space<hbm>>
        %dma_wait3A_43 = arith.constant 0 : i32
        %dma_wait3A_44 = tpu.memref_slice %arg28[%dma_wait3A_43] : memref<640xf32, #tpu.memory_space<vmem>> -> memref<640xf32, #tpu.memory_space<vmem>>
        tpu.wait_dma2 semaphore(%run_scoped3A : memref<!tpu.dma_semaphore, #tpu.memory_space<semaphore_mem>>) src(%dma_wait3A_44 : memref<640xf32, #tpu.memory_space<vmem>>) dst(%dma_wait3A_42 : memref<640xf32, #tpu.memory_space<hbm>>)
        tpu.yield
      }) : () -> ()
      "tpu.region"() ({
        %run_scoped3A = tpu.sem_alloc : memref<!tpu.dma_semaphore, #tpu.memory_space<semaphore_mem>>
        %dma_start3A = arith.constant 0 : i32
        %dma_start3A_35 = tpu.memref_slice %arg29[%dma_start3A] : memref<640xf32, #tpu.memory_space<vmem>> -> memref<640xf32, #tpu.memory_space<vmem>>
        %dma_start3A_36 = tpu.memref_slice %arg14[%multiple_of3A] : memref<20000xf32, #tpu.memory_space<hbm>> -> memref<640xf32, #tpu.memory_space<hbm>>
        %dma_start3A_37 = tpu.memref_slice %arg14[%multiple_of3A] : memref<20000xf32, #tpu.memory_space<hbm>> -> memref<640xf32, #tpu.memory_space<hbm>>
        %dma_start3A_38 = arith.constant 0 : i32
        %dma_start3A_39 = tpu.memref_slice %arg29[%dma_start3A_38] : memref<640xf32, #tpu.memory_space<vmem>> -> memref<640xf32, #tpu.memory_space<vmem>>
        tpu.enqueue_dma source(%dma_start3A_39 : memref<640xf32, #tpu.memory_space<vmem>>) target(%dma_start3A_37 : memref<640xf32, #tpu.memory_space<hbm>>) target_semaphore(%run_scoped3A : memref<!tpu.dma_semaphore, #tpu.memory_space<semaphore_mem>>)
        %dma_wait3A = arith.constant 0 : i32
        %dma_wait3A_40 = tpu.memref_slice %arg29[%dma_wait3A] : memref<640xf32, #tpu.memory_space<vmem>> -> memref<640xf32, #tpu.memory_space<vmem>>
        %dma_wait3A_41 = tpu.memref_slice %arg14[%multiple_of3A] : memref<20000xf32, #tpu.memory_space<hbm>> -> memref<640xf32, #tpu.memory_space<hbm>>
        %dma_wait3A_42 = tpu.memref_slice %arg14[%multiple_of3A] : memref<20000xf32, #tpu.memory_space<hbm>> -> memref<640xf32, #tpu.memory_space<hbm>>
        %dma_wait3A_43 = arith.constant 0 : i32
        %dma_wait3A_44 = tpu.memref_slice %arg29[%dma_wait3A_43] : memref<640xf32, #tpu.memory_space<vmem>> -> memref<640xf32, #tpu.memory_space<vmem>>
        tpu.wait_dma2 semaphore(%run_scoped3A : memref<!tpu.dma_semaphore, #tpu.memory_space<semaphore_mem>>) src(%dma_wait3A_44 : memref<640xf32, #tpu.memory_space<vmem>>) dst(%dma_wait3A_42 : memref<640xf32, #tpu.memory_space<hbm>>)
        tpu.yield
      }) : () -> ()
      "tpu.region"() ({
        %run_scoped3A = tpu.sem_alloc : memref<!tpu.dma_semaphore, #tpu.memory_space<semaphore_mem>>
        %dma_start3A = arith.constant 0 : i32
        %dma_start3A_35 = tpu.memref_slice %arg30[%dma_start3A] : memref<640xi32, #tpu.memory_space<vmem>> -> memref<640xi32, #tpu.memory_space<vmem>>
        %dma_start3A_36 = tpu.memref_slice %arg15[%multiple_of3A] : memref<20000xi32, #tpu.memory_space<hbm>> -> memref<640xi32, #tpu.memory_space<hbm>>
        %dma_start3A_37 = tpu.memref_slice %arg15[%multiple_of3A] : memref<20000xi32, #tpu.memory_space<hbm>> -> memref<640xi32, #tpu.memory_space<hbm>>
        %dma_start3A_38 = arith.constant 0 : i32
        %dma_start3A_39 = tpu.memref_slice %arg30[%dma_start3A_38] : memref<640xi32, #tpu.memory_space<vmem>> -> memref<640xi32, #tpu.memory_space<vmem>>
        tpu.enqueue_dma source(%dma_start3A_39 : memref<640xi32, #tpu.memory_space<vmem>>) target(%dma_start3A_37 : memref<640xi32, #tpu.memory_space<hbm>>) target_semaphore(%run_scoped3A : memref<!tpu.dma_semaphore, #tpu.memory_space<semaphore_mem>>)
        %dma_wait3A = arith.constant 0 : i32
        %dma_wait3A_40 = tpu.memref_slice %arg30[%dma_wait3A] : memref<640xi32, #tpu.memory_space<vmem>> -> memref<640xi32, #tpu.memory_space<vmem>>
        %dma_wait3A_41 = tpu.memref_slice %arg15[%multiple_of3A] : memref<20000xi32, #tpu.memory_space<hbm>> -> memref<640xi32, #tpu.memory_space<hbm>>
        %dma_wait3A_42 = tpu.memref_slice %arg15[%multiple_of3A] : memref<20000xi32, #tpu.memory_space<hbm>> -> memref<640xi32, #tpu.memory_space<hbm>>
        %dma_wait3A_43 = arith.constant 0 : i32
        %dma_wait3A_44 = tpu.memref_slice %arg30[%dma_wait3A_43] : memref<640xi32, #tpu.memory_space<vmem>> -> memref<640xi32, #tpu.memory_space<vmem>>
        tpu.wait_dma2 semaphore(%run_scoped3A : memref<!tpu.dma_semaphore, #tpu.memory_space<semaphore_mem>>) src(%dma_wait3A_44 : memref<640xi32, #tpu.memory_space<vmem>>) dst(%dma_wait3A_42 : memref<640xi32, #tpu.memory_space<hbm>>)
        tpu.yield
      }) : () -> ()
    } else {
    }
    %convert_element_type3A_32 = arith.extui %eq3A_3 : i1 to i32
    %cond3A_33 = arith.constant 0 : i32
    %cond3A_34 = arith.cmpi ne, %convert_element_type3A_32, %cond3A_33 : i32
    scf.if %cond3A_34 {
      "tpu.region"() ({
        %run_scoped3A = tpu.sem_alloc : memref<!tpu.dma_semaphore, #tpu.memory_space<semaphore_mem>>
        %dma_start3A = arith.constant 0 : i32
        %dma_start3A_35 = tpu.memref_slice %arg26[%dma_start3A] : memref<640xf32, #tpu.memory_space<vmem>> -> memref<160xf32, #tpu.memory_space<vmem>>
        %dma_start3A_36 = tpu.memref_slice %arg11[%multiple_of3A] : memref<20000xf32, #tpu.memory_space<hbm>> -> memref<160xf32, #tpu.memory_space<hbm>>
        %dma_start3A_37 = tpu.memref_slice %arg11[%multiple_of3A] : memref<20000xf32, #tpu.memory_space<hbm>> -> memref<160xf32, #tpu.memory_space<hbm>>
        %dma_start3A_38 = arith.constant 0 : i32
        %dma_start3A_39 = tpu.memref_slice %arg26[%dma_start3A_38] : memref<640xf32, #tpu.memory_space<vmem>> -> memref<160xf32, #tpu.memory_space<vmem>>
        tpu.enqueue_dma source(%dma_start3A_39 : memref<160xf32, #tpu.memory_space<vmem>>) target(%dma_start3A_37 : memref<160xf32, #tpu.memory_space<hbm>>) target_semaphore(%run_scoped3A : memref<!tpu.dma_semaphore, #tpu.memory_space<semaphore_mem>>)
        %dma_wait3A = arith.constant 0 : i32
        %dma_wait3A_40 = tpu.memref_slice %arg26[%dma_wait3A] : memref<640xf32, #tpu.memory_space<vmem>> -> memref<160xf32, #tpu.memory_space<vmem>>
        %dma_wait3A_41 = tpu.memref_slice %arg11[%multiple_of3A] : memref<20000xf32, #tpu.memory_space<hbm>> -> memref<160xf32, #tpu.memory_space<hbm>>
        %dma_wait3A_42 = tpu.memref_slice %arg11[%multiple_of3A] : memref<20000xf32, #tpu.memory_space<hbm>> -> memref<160xf32, #tpu.memory_space<hbm>>
        %dma_wait3A_43 = arith.constant 0 : i32
        %dma_wait3A_44 = tpu.memref_slice %arg26[%dma_wait3A_43] : memref<640xf32, #tpu.memory_space<vmem>> -> memref<160xf32, #tpu.memory_space<vmem>>
        tpu.wait_dma2 semaphore(%run_scoped3A : memref<!tpu.dma_semaphore, #tpu.memory_space<semaphore_mem>>) src(%dma_wait3A_44 : memref<160xf32, #tpu.memory_space<vmem>>) dst(%dma_wait3A_42 : memref<160xf32, #tpu.memory_space<hbm>>)
        tpu.yield
      }) : () -> ()
      "tpu.region"() ({
        %run_scoped3A = tpu.sem_alloc : memref<!tpu.dma_semaphore, #tpu.memory_space<semaphore_mem>>
        %dma_start3A = arith.constant 0 : i32
        %dma_start3A_35 = tpu.memref_slice %arg27[%dma_start3A] : memref<640xf32, #tpu.memory_space<vmem>> -> memref<160xf32, #tpu.memory_space<vmem>>
        %dma_start3A_36 = tpu.memref_slice %arg12[%multiple_of3A] : memref<20000xf32, #tpu.memory_space<hbm>> -> memref<160xf32, #tpu.memory_space<hbm>>
        %dma_start3A_37 = tpu.memref_slice %arg12[%multiple_of3A] : memref<20000xf32, #tpu.memory_space<hbm>> -> memref<160xf32, #tpu.memory_space<hbm>>
        %dma_start3A_38 = arith.constant 0 : i32
        %dma_start3A_39 = tpu.memref_slice %arg27[%dma_start3A_38] : memref<640xf32, #tpu.memory_space<vmem>> -> memref<160xf32, #tpu.memory_space<vmem>>
        tpu.enqueue_dma source(%dma_start3A_39 : memref<160xf32, #tpu.memory_space<vmem>>) target(%dma_start3A_37 : memref<160xf32, #tpu.memory_space<hbm>>) target_semaphore(%run_scoped3A : memref<!tpu.dma_semaphore, #tpu.memory_space<semaphore_mem>>)
        %dma_wait3A = arith.constant 0 : i32
        %dma_wait3A_40 = tpu.memref_slice %arg27[%dma_wait3A] : memref<640xf32, #tpu.memory_space<vmem>> -> memref<160xf32, #tpu.memory_space<vmem>>
        %dma_wait3A_41 = tpu.memref_slice %arg12[%multiple_of3A] : memref<20000xf32, #tpu.memory_space<hbm>> -> memref<160xf32, #tpu.memory_space<hbm>>
        %dma_wait3A_42 = tpu.memref_slice %arg12[%multiple_of3A] : memref<20000xf32, #tpu.memory_space<hbm>> -> memref<160xf32, #tpu.memory_space<hbm>>
        %dma_wait3A_43 = arith.constant 0 : i32
        %dma_wait3A_44 = tpu.memref_slice %arg27[%dma_wait3A_43] : memref<640xf32, #tpu.memory_space<vmem>> -> memref<160xf32, #tpu.memory_space<vmem>>
        tpu.wait_dma2 semaphore(%run_scoped3A : memref<!tpu.dma_semaphore, #tpu.memory_space<semaphore_mem>>) src(%dma_wait3A_44 : memref<160xf32, #tpu.memory_space<vmem>>) dst(%dma_wait3A_42 : memref<160xf32, #tpu.memory_space<hbm>>)
        tpu.yield
      }) : () -> ()
      "tpu.region"() ({
        %run_scoped3A = tpu.sem_alloc : memref<!tpu.dma_semaphore, #tpu.memory_space<semaphore_mem>>
        %dma_start3A = arith.constant 0 : i32
        %dma_start3A_35 = tpu.memref_slice %arg28[%dma_start3A] : memref<640xf32, #tpu.memory_space<vmem>> -> memref<160xf32, #tpu.memory_space<vmem>>
        %dma_start3A_36 = tpu.memref_slice %arg13[%multiple_of3A] : memref<20000xf32, #tpu.memory_space<hbm>> -> memref<160xf32, #tpu.memory_space<hbm>>
        %dma_start3A_37 = tpu.memref_slice %arg13[%multiple_of3A] : memref<20000xf32, #tpu.memory_space<hbm>> -> memref<160xf32, #tpu.memory_space<hbm>>
        %dma_start3A_38 = arith.constant 0 : i32
        %dma_start3A_39 = tpu.memref_slice %arg28[%dma_start3A_38] : memref<640xf32, #tpu.memory_space<vmem>> -> memref<160xf32, #tpu.memory_space<vmem>>
        tpu.enqueue_dma source(%dma_start3A_39 : memref<160xf32, #tpu.memory_space<vmem>>) target(%dma_start3A_37 : memref<160xf32, #tpu.memory_space<hbm>>) target_semaphore(%run_scoped3A : memref<!tpu.dma_semaphore, #tpu.memory_space<semaphore_mem>>)
        %dma_wait3A = arith.constant 0 : i32
        %dma_wait3A_40 = tpu.memref_slice %arg28[%dma_wait3A] : memref<640xf32, #tpu.memory_space<vmem>> -> memref<160xf32, #tpu.memory_space<vmem>>
        %dma_wait3A_41 = tpu.memref_slice %arg13[%multiple_of3A] : memref<20000xf32, #tpu.memory_space<hbm>> -> memref<160xf32, #tpu.memory_space<hbm>>
        %dma_wait3A_42 = tpu.memref_slice %arg13[%multiple_of3A] : memref<20000xf32, #tpu.memory_space<hbm>> -> memref<160xf32, #tpu.memory_space<hbm>>
        %dma_wait3A_43 = arith.constant 0 : i32
        %dma_wait3A_44 = tpu.memref_slice %arg28[%dma_wait3A_43] : memref<640xf32, #tpu.memory_space<vmem>> -> memref<160xf32, #tpu.memory_space<vmem>>
        tpu.wait_dma2 semaphore(%run_scoped3A : memref<!tpu.dma_semaphore, #tpu.memory_space<semaphore_mem>>) src(%dma_wait3A_44 : memref<160xf32, #tpu.memory_space<vmem>>) dst(%dma_wait3A_42 : memref<160xf32, #tpu.memory_space<hbm>>)
        tpu.yield
      }) : () -> ()
      "tpu.region"() ({
        %run_scoped3A = tpu.sem_alloc : memref<!tpu.dma_semaphore, #tpu.memory_space<semaphore_mem>>
        %dma_start3A = arith.constant 0 : i32
        %dma_start3A_35 = tpu.memref_slice %arg29[%dma_start3A] : memref<640xf32, #tpu.memory_space<vmem>> -> memref<160xf32, #tpu.memory_space<vmem>>
        %dma_start3A_36 = tpu.memref_slice %arg14[%multiple_of3A] : memref<20000xf32, #tpu.memory_space<hbm>> -> memref<160xf32, #tpu.memory_space<hbm>>
        %dma_start3A_37 = tpu.memref_slice %arg14[%multiple_of3A] : memref<20000xf32, #tpu.memory_space<hbm>> -> memref<160xf32, #tpu.memory_space<hbm>>
        %dma_start3A_38 = arith.constant 0 : i32
        %dma_start3A_39 = tpu.memref_slice %arg29[%dma_start3A_38] : memref<640xf32, #tpu.memory_space<vmem>> -> memref<160xf32, #tpu.memory_space<vmem>>
        tpu.enqueue_dma source(%dma_start3A_39 : memref<160xf32, #tpu.memory_space<vmem>>) target(%dma_start3A_37 : memref<160xf32, #tpu.memory_space<hbm>>) target_semaphore(%run_scoped3A : memref<!tpu.dma_semaphore, #tpu.memory_space<semaphore_mem>>)
        %dma_wait3A = arith.constant 0 : i32
        %dma_wait3A_40 = tpu.memref_slice %arg29[%dma_wait3A] : memref<640xf32, #tpu.memory_space<vmem>> -> memref<160xf32, #tpu.memory_space<vmem>>
        %dma_wait3A_41 = tpu.memref_slice %arg14[%multiple_of3A] : memref<20000xf32, #tpu.memory_space<hbm>> -> memref<160xf32, #tpu.memory_space<hbm>>
        %dma_wait3A_42 = tpu.memref_slice %arg14[%multiple_of3A] : memref<20000xf32, #tpu.memory_space<hbm>> -> memref<160xf32, #tpu.memory_space<hbm>>
        %dma_wait3A_43 = arith.constant 0 : i32
        %dma_wait3A_44 = tpu.memref_slice %arg29[%dma_wait3A_43] : memref<640xf32, #tpu.memory_space<vmem>> -> memref<160xf32, #tpu.memory_space<vmem>>
        tpu.wait_dma2 semaphore(%run_scoped3A : memref<!tpu.dma_semaphore, #tpu.memory_space<semaphore_mem>>) src(%dma_wait3A_44 : memref<160xf32, #tpu.memory_space<vmem>>) dst(%dma_wait3A_42 : memref<160xf32, #tpu.memory_space<hbm>>)
        tpu.yield
      }) : () -> ()
      "tpu.region"() ({
        %run_scoped3A = tpu.sem_alloc : memref<!tpu.dma_semaphore, #tpu.memory_space<semaphore_mem>>
        %dma_start3A = arith.constant 0 : i32
        %dma_start3A_35 = tpu.memref_slice %arg30[%dma_start3A] : memref<640xi32, #tpu.memory_space<vmem>> -> memref<160xi32, #tpu.memory_space<vmem>>
        %dma_start3A_36 = tpu.memref_slice %arg15[%multiple_of3A] : memref<20000xi32, #tpu.memory_space<hbm>> -> memref<160xi32, #tpu.memory_space<hbm>>
        %dma_start3A_37 = tpu.memref_slice %arg15[%multiple_of3A] : memref<20000xi32, #tpu.memory_space<hbm>> -> memref<160xi32, #tpu.memory_space<hbm>>
        %dma_start3A_38 = arith.constant 0 : i32
        %dma_start3A_39 = tpu.memref_slice %arg30[%dma_start3A_38] : memref<640xi32, #tpu.memory_space<vmem>> -> memref<160xi32, #tpu.memory_space<vmem>>
        tpu.enqueue_dma source(%dma_start3A_39 : memref<160xi32, #tpu.memory_space<vmem>>) target(%dma_start3A_37 : memref<160xi32, #tpu.memory_space<hbm>>) target_semaphore(%run_scoped3A : memref<!tpu.dma_semaphore, #tpu.memory_space<semaphore_mem>>)
        %dma_wait3A = arith.constant 0 : i32
        %dma_wait3A_40 = tpu.memref_slice %arg30[%dma_wait3A] : memref<640xi32, #tpu.memory_space<vmem>> -> memref<160xi32, #tpu.memory_space<vmem>>
        %dma_wait3A_41 = tpu.memref_slice %arg15[%multiple_of3A] : memref<20000xi32, #tpu.memory_space<hbm>> -> memref<160xi32, #tpu.memory_space<hbm>>
        %dma_wait3A_42 = tpu.memref_slice %arg15[%multiple_of3A] : memref<20000xi32, #tpu.memory_space<hbm>> -> memref<160xi32, #tpu.memory_space<hbm>>
        %dma_wait3A_43 = arith.constant 0 : i32
        %dma_wait3A_44 = tpu.memref_slice %arg30[%dma_wait3A_43] : memref<640xi32, #tpu.memory_space<vmem>> -> memref<160xi32, #tpu.memory_space<vmem>>
        tpu.wait_dma2 semaphore(%run_scoped3A : memref<!tpu.dma_semaphore, #tpu.memory_space<semaphore_mem>>) src(%dma_wait3A_44 : memref<160xi32, #tpu.memory_space<vmem>>) dst(%dma_wait3A_42 : memref<160xi32, #tpu.memory_space<hbm>>)
        tpu.yield
      }) : () -> ()
    } else {
    }
    return
  }
}

</mosaic_0001>

<sc_bundles>
// kernel: kernel.3.cloned.1.call-start
scs
__scs_entry_jumppad:
0x0: {  	(pc) =	sbr.rel $0x88, $3  }
0x1: {  	(tag) =	ssettag $0x0;
	lr =	simm.s32 $0x1  }
0x2: {  	[smem:$0x3F9E] =	sst lr;
	_ =	strace $0xD0000000  }
0x3: {  	_ = 	snop  }
0x4: {  	_ = 	snop  }
0x5: {  	_ = 	snop  }
0x6: {  	_ = 	snop  }
0x7: {  	_ = 	snop  }
__scs_overlays_trampoline_lowered:
0x8: {  	[smem:$0x3FAD] =	sst s0  }
0x9: {  	[smem:$0x3FAE] =	sst s1  }
0xa: {  	[smem:$0x3FAF] =	sst s2  }
0xb: {  	[smem:$0x3FB0] =	sst s3  }
0xc: {  	[smem:$0x3FB1] =	sst s4  }
0xd: {  	[smem:$0x3FB2] =	sst s5  }
0xe: {  	[smem:$0x3FB3] =	sst s6  }
0xf: {  	[smem:$0x3FB4] =	sst s7  }
0x10: {  	[smem:$0x3FB5] =	sst s8  }
0x11: {  	[smem:$0x3FB6] =	sst s9;
	s0 =	simm.s32 @!p0 $0x0  }
0x12: {  	s1 =	sld [smem:$0x3F9C];
	s0 =	simm.s32 @p0 $0x1  }
0x13: {  	[smem:$0x3FB7] =	sst s0;
	s0 =	simm.s32 @!p1 $0x0  }
0x14: {  	s2 =	sld [smem:$0x3F9B];
	s0 =	simm.s32 @p1 $0x1  }
0x15: {  	[smem:$0x3FB8] =	sst s0;
	s0 =	simm.s32 @!p2 $0x0  }
0x16: {  	s3 =	sld [smem:$0x3FDB];
	s0 =	simm.s32 @p2 $0x1  }
0x17: {  	s4 =	simm.s32 $0x1BF5;
	[smem:$0x3FBA] =	sst s0  }
0x18: {  	s0 =	sld [smem:$0x3F9D];
	_ =	swait.ge [sflag:s4], $0x0  }
0x19: {  	s7 =	sld [smem:$0x3F9E]  }
0x1a: {  	s8 =	sadd.s32 $0xFFFFE003, lr  }
0x1b: {  	s9 =	sadd.s32 $0xFFFFFEF7, lr;
	s5 =	simm.s32 $0xFFFFFFFF;
	p2 =	slt.u32 s8, $0xFFFFF086  }
0x1c: {  	p1 =	slt.u32 s9, $0xF7A;
	s5 =	simm.s32 @!p2 $0x0  }
0x1d: {  	s5 =	simm.s32 @p1 $0x1;
	p0 =	seq.s32 s7, s2  }
0x1e: {  	s7 =	smul.u32 @!p0 $0xF7A, s2;
	p2 =	seq.s32 @!p0 s5, $0x0  }
0x1f: {  	s9 =	smul.u32 $0xF7A, s1;
	s8 =	simm.s32 @!p0 $0x1BF5;
	p2 =	por !p2, p0  }
0x20: {  	[sflag:s8] =	ssyncset.s32 @!p0 $0xFFFFF086;
	s6 =	sadd.s32 @!p0 s3, s7;
	s7 =	simm.s32 @!p0 $0x108  }
0x21: {  	s3 =	sadd.s32 s3, s9;
	s6 =	sadd.s32 @!p0 $0x88, s6;
	s7 =	simm.s32 @p2 $0x1082  }
0x22: {  	[simem:s7], [sflag:s8] =	dma.local @!p0 [hbm:s6], $0xF7A  }
0x23: {  	s9 =	sor.u32 $0xD0000000, s2;
	s6 =	simm.s32 $0x108;
	_ =	swait.ge @!p0 [sflag:s8], $0x0  }
0x24: {  	s3 =	sadd.s32 $0x88, s3;
	s6 =	simm.s32 @!p1 $0x1082;
	[sflag:s4] =	ssyncset.s32 $0xFFFFF086  }
0x25: {  	[simem:s6], [sflag:s4] =	dma.local [hbm:s3], $0xF7A  }
0x26: {  	[smem:$0x3F9E] =	sst s1;
	(tag) =	ssettag s2;
	_ =	strace s9  }
0x27: {  	s1 =	sld [smem:$0x3FAE]  }
0x28: {  	s2 =	sld [smem:$0x3FAF]  }
0x29: {  	s4 =	sld [smem:$0x3FB1]  }
0x2a: {  	p0 =	seq.s32 s5, $0x0;
	s5 =	sld [smem:$0x3FB2]  }
0x2b: {  	s6 =	sld [smem:$0x3FB3]  }
0x2c: {  	s7 =	sld [smem:$0x3FB4]  }
0x2d: {  	s3 =	simm.s32 $0x108;
	s8 =	sld [smem:$0x3FB5]  }
0x2e: {  	s3 =	simm.s32 @!p0 $0x1082;
	s9 =	sld [smem:$0x3FB6]  }
0x2f: {  	lr =	sadd.s32 s0, s3;
	s0 =	sld [smem:$0x3FAD]  }
0x30: {  	s3 =	sld [smem:$0x3FB0]  }
0x31: {  	[smem:$0x3FB9] =	sst s10  }
0x32: {  	s10 =	sld [smem:$0x3FB7];
	_ =	sdelay $0x3  }
0x33: {  	p0 =	seq.s32 s10, $0x1;
	s10 =	sld [smem:$0x3FB9];
	_ =	sdelay $0x3  }
0x34: {  	[smem:$0x3FB9] =	sst s10  }
0x35: {  	s10 =	sld [smem:$0x3FB8];
	_ =	sdelay $0x3  }
0x36: {  	p1 =	seq.s32 s10, $0x1;
	s10 =	sld [smem:$0x3FB9];
	_ =	sdelay $0x3  }
0x37: {  	[smem:$0x3FB9] =	sst s10  }
0x38: {  	s10 =	sld [smem:$0x3FBA]  }
0x39: {  	_ = 	snop;
	(pc) =	sbr.ind lr, $3  }
0x3a: {  	_ = 	snop  }
0x3b: {  	_ = 	snop  }
0x3c: {  	p2 =	seq.s32 s10, $0x1;
	s10 =	sld [smem:$0x3FB9]  }
0x3d: {  	_ =	shalt  }
0x3e: {  	_ =	shalt  }
0x3f: {  	_ =	shalt  }
0x40: {  	_ =	shalt  }
0x41: {  	_ =	shalt  }
0x42: {  	_ =	shalt  }
0x43: {  	_ =	shalt  }
0x44: {  	_ =	shalt  }
0x45: {  	_ =	shalt  }
0x46: {  	_ =	shalt  }
0x47: {  	_ =	shalt  }
0x48: {  	_ =	shalt  }
0x49: {  	_ =	shalt  }
0x4a: {  	_ =	shalt  }
0x4b: {  	_ =	shalt  }
0x4c: {  	_ =	shalt  }
0x4d: {  	_ =	shalt  }
0x4e: {  	_ =	shalt  }
0x4f: {  	_ =	shalt  }
0x50: {  	_ =	shalt  }
0x51: {  	_ =	shalt  }
0x52: {  	_ =	shalt  }
0x53: {  	_ =	shalt  }
0x54: {  	_ =	shalt  }
0x55: {  	_ =	shalt  }
0x56: {  	_ =	shalt  }
0x57: {  	_ =	shalt  }
0x58: {  	_ =	shalt  }
0x59: {  	_ =	shalt  }
0x5a: {  	_ =	shalt  }
0x5b: {  	_ =	shalt  }
0x5c: {  	_ =	shalt  }
0x5d: {  	_ =	shalt  }
0x5e: {  	_ =	shalt  }
0x5f: {  	_ =	shalt  }
0x60: {  	_ =	shalt  }
0x61: {  	_ =	shalt  }
0x62: {  	_ =	shalt  }
0x63: {  	_ =	shalt  }
0x64: {  	_ =	shalt  }
0x65: {  	_ =	shalt  }
0x66: {  	_ =	shalt  }
0x67: {  	_ =	shalt  }
0x68: {  	_ =	shalt  }
0x69: {  	_ =	shalt  }
0x6a: {  	_ =	shalt  }
0x6b: {  	_ =	shalt  }
0x6c: {  	_ =	shalt  }
0x6d: {  	_ =	shalt  }
0x6e: {  	_ =	shalt  }
0x6f: {  	_ =	shalt  }
0x70: {  	_ =	shalt  }
0x71: {  	_ =	shalt  }
0x72: {  	_ =	shalt  }
0x73: {  	_ =	shalt  }
0x74: {  	_ =	shalt  }
0x75: {  	_ =	shalt  }
0x76: {  	_ =	shalt  }
0x77: {  	_ =	shalt  }
0x78: {  	_ =	shalt  }
0x79: {  	_ =	shalt  }
0x7a: {  	_ =	shalt  }
0x7b: {  	_ =	shalt  }
0x7c: {  	_ =	shalt  }
0x7d: {  	_ =	shalt  }
0x7e: {  	_ =	shalt  }
0x7f: {  	_ =	shalt  }
0x80: {  	_ =	shalt  }
0x81: {  	_ =	shalt  }
0x82: {  	_ =	shalt  }
0x83: {  	_ =	shalt  }
0x84: {  	_ =	shalt  }
0x85: {  	_ =	shalt  }
0x86: {  	_ =	shalt  }
0x87: {  	_ =	shalt  }
.Lfunc_end0:
.L_simem_size_0:
called_computation_lowered:
.L_overlay_start_0:
0x88: {  	s2 =	sld [smem:$0x3FD9]  }
0x89: {  	s3 =	sld [smem:$0x3FFE];
	_ =	sdelay $0x1  }
0x8a: {  	s1 =	srdreg.scid  }
0x8b: {  	s0 =	sand.u32 $0x1, s1  }
0x8c: {  	s14 =	sshll.u32 s0, $0xA;
	s2 =	sadd.s32 s3, s2  }
0x8d: {  	s2 =	sadd.s32 s2, s14  }
0x8e: {  	[smem:$0x3FC5] =	sst s2  }
0x8f: {  	_ = 	snop  }
0x90: {  	s2 =	sld [smem:$0x3FD0];
	_ =	sdelay $0x2  }
0x91: {  	s15 =	simm.s32 $0xA;
	s4 =	simm.s32 $0x10  }
0x92: {  	[smem:s4], [sflag:s15] =	dma.local [hbm:s2], $0x1  }
0x93: {  	_ =	swait.eq [sflag:s15], $0x1  }
0x94: {  	[sflag:s15] =	ssyncset.done $0x0  }
0x95: {  	s16 =	sld [smem:$0x10];
	[sflag:s15] =	ssyncadd.s32 $0xFFFFFFFF  }
0x96: {  	s17 =	sld [smem:$0x11];
	(tm) =	ssettm $0x1  }
0x97: {  	s18 =	sld [smem:$0x3FFB];
	_ =	sdelay $0x3  }
0x98: {  	_ =	strace s18  }
0x99: {  	s4 =	sld [smem:$0x3FFC];
	_ =	sdelay $0x3  }
0x9a: {  	_ =	strace s4  }
0x9b: {  	s4 =	sld [smem:$0x3FFD];
	_ =	sdelay $0x3  }
0x9c: {  	_ =	strace s4  }
0x9d: {  	_ =	strace $0x8FFFFFFF  }
0x9e: {  	s19 =	sld [smem:$0x3FDB];
	_ =	sdelay $0x1  }
0x9f: {  	s5 =	simm.s32 $_scs_section_size  }
0xa0: {  	s6 =	simm.s32 $_size__tile_overlayer_lowered;
	s7 =	simm.s32 $_tile_overlayer_lowered  }
0xa1: {  	s22 =	simm.s32 $0x1BFF;
	s21 =	sshll.u32 s7, $0x1;
	s4 =	sadd.s32 s5, s19  }
0xa2: {  	s8 =	simm.s32 $0x0;
	s20 =	sshll.u32 s6, $0x1;
	s6 =	sadd.s32 s21, s4  }
0xa3: {  	[timem:s8], [sflag:s22] =	dma.local [hbm:s6], s20  }
0xa4: {  	_ =	swait.ge [sflag:s22], s20  }
0xa5: {  	s5 =	ssub.s32 $0x0, s20;
	[sflag:s22] =	ssyncset.done $0x0  }
0xa6: {  	[sflag:s22] =	ssyncadd.s32 s5;
	_ =	sdelay $0x1  }
0xa7: {  	s23 =	simm.s32 $0x1B8B  }
0xa8: {  	_ =	swait.ge [sflag:s23], $0x1  }
0xa9: {  	[sflag:s23] =	ssyncset.done $0x0  }
0xaa: {  	s25 =	simm.s32 $0x1B8E;
	s24 =	sld [smem:$0x3FFE];
	[sflag:s23] =	ssyncadd.s32 $0xFFFFFFFF  }
0xab: {  	s26 =	simm.s32 $execute0_lowered;
	[smem:$0x3FD2] =	sst s25  }
0xac: {  	s6 =	sshll.u32 s26, $0x1;
	_ =	strace $0x80000046;
	[dreg:$0x1] =	wrdreg $0xFFFFFFFF  }
0xad: {  	s28 =	simm.s32 $_size_execute0_lowered;
	s4 =	sadd.s32 s4, s6;
	[dreg:$0x0] =	wrdreg $0x0  }
0xae: {  	s6 =	sshll.u32 s28, $0x1;
	[dreg:$0x2] =	wrdreg s4  }
0xaf: {  	[dreg:$0x3] =	wrdreg s6  }
0xb0: {  	[dreg:$0x4] =	wrdreg $0xC0  }
0xb1: {  	_ =	task [dreg:s8], $0x5FFFF  }
0xb2: {  	[dreg:$0x1] =	wrdreg $0xFFFFFFFF  }
0xb3: {  	[dreg:$0x0] =	wrdreg $0x60  }
0xb4: {  	[dreg:$0x2] =	wrdreg s24  }
0xb5: {  	[dreg:$0x3] =	wrdreg s16  }
0xb6: {  	[dreg:$0x4] =	wrdreg s17  }
0xb7: {  	[dreg:$0x5] =	wrdreg $0x9  }
0xb8: {  	_ =	task.clear_ibuf [dreg:s8], $0x6FFFF;
	_ =	strace $0x90000046  }
0xb9: {  	s29 =	simm.s32 $0x9;
	_ =	strace $0x80000048  }
0xba: {  	_ =	swait.ge [sflag:s29], $0x1  }
0xbb: {  	[sflag:s29] =	ssyncadd.s32 $0xFFFFFFFF  }
0xbc: {  	_ =	strace $0x90000048  }
0xbd: {  	_ =	sfence  }
0xbe: {  	s30 =	sld [smem:$0x0];
	_ =	sdelay $0x2  }
0xbf: {  	s31 =	sshll.u32 s1, $0xD;
	s1 =	sshrl.u32 s1, $0x2  }
0xc0: {  	s3 =	sand.u32 $0x4000, s31;
	s1 =	sadd.s32 s1, s30  }
0xc1: {  	s0 =	sor.u32 s3, s0;
	s1 =	sshll.u32 s1, $0x11  }
0xc2: {  	s0 =	sor.u32 s1, s0  }
0xc3: {  	s0 =	sadd.s32 $0x8F2B, s0  }
0xc4: {  	[sflag:s0] =	ssyncadd.remote.s32 $0x1  }
0xc5: {  	_ =	sfence.sel $0xFFFF  }
0xc6: {  	[dreg:$0x0] =	wrdreg $0xFFFFFFFF;
	(pc) =	sbr.abs _section_cstart, $3  }
0xc7: {  	[dreg:$0x1] =	wrdreg $0xFFFFFFFF  }
0xc8: {  	_ =	task.clear_ibuf [dreg:s8], $0x2FFFF;
	_ =	strace $0x9FFFFFFF  }
0xc9: {  	(tm) =	ssettm $0x7FFFFFFF  }
tec
execute0_lowered:
.L_overlay_start_1:
0x0: {  	(tag) =	ssettag $0x1  }
0x1: {  	s8 =	rddreg [dreg:$0x0]  }
0x2: {  	s0 =	rddreg [dreg:$0x1]  }
0x3: {  	s1 =	rddreg [dreg:$0x2];
	s2 =	srdreg.scid  }
0x4: {  	s4 =	stileid.u32;
	s3 =	simm.s32 $0x0;
	s29 =	simm.s32 $0xA00  }
0x5: {  	s30 =	simm.s32 $0x1;
	[smem:$0x7FF] =	sst s3;
	s5 =	sadd.s32 $0x600, s8  }
0x6: {  	s6 =	sadd.s32 $0x200, s8;
	_ =	strace $0x80000047;
	[dreg:$0x4] =	wrdreg s5  }
0x7: {  	s31 =	simm.s32 $0x1100;
	s14 =	sadd.s32 $0x400, s8;
	[dreg:$0x5] =	wrdreg s6  }
0x8: {  	s2 =	sand.u32 $0x1, s2;
	s15 =	sadd.s32 $0x2600, s8;
	[dreg:$0x6] =	wrdreg s14  }
0x9: {  	s4 =	sshll.u32 s4, $0x1;
	s24 =	sadd.s32 $0x25B0, s8;
	[dreg:$0x7] =	wrdreg s15  }
0xa: {  	s25 =	sadd.s32 $0x1BB0, s8;
	s26 =	sadd.s32 $0x11B0, s8;
	[dreg:$0xc] =	wrdreg s24  }
0xb: {  	s28 =	sadd.s32 $0x4FB0, s8;
	s4 =	sor.u32 s2, s4;
	[dreg:$0xd] =	wrdreg s25  }
0xc: {  	v0 =	vimm.f32 $2.000000030e-01;
	s2 =	ssub.s32 $0x2, s2;
	s14 =	simm.s32 $0xA;
	[dreg:$0xe] =	wrdreg s26  }
0xd: {  	s24 =	sadd.s32 $0x9B0, s1;
	s26 =	sadd.s32 $0x45B0, s8;
	s13 =	smul.u32 $0x50, s4;
	(erf) = vrcp.f32 v0  }
0xe: {  	s7 =	sshrl.u32 s2, $0x1;
	p0 =	seq.s32 s4, $0x1F;
	s4 =	simm.s32 $0x0  }
0xf: {  	s2 =	ssub.s32 s2, s7;
	s14 =	simm.s32 @!p0 $0x28;
	s16 =	sadd.s32 s13, s8  }
0x10: {  	s23 =	sadd.s32 s0, s13;
	s0 =	sadd.s32 $0x9B0, s0;
	s25 =	smax.u32 s2, $0x1  }
0x11: {  	s2 =	simm.s32 $0x1F00;
	s20 =	sadd.s32 $0x1C00, s16;
	[dreg:$0xb] =	wrdreg s23  }
0x12: {  	s21 =	sadd.s32 $0x1200, s16;
	s22 =	sadd.s32 $0x800, s16;
	[dreg:$0xf] =	wrdreg s0  }
0x13: {  	s17 =	sadd.s32 $0x2800, s16;
	s18 =	sadd.s32 $0x3200, s16;
	[dreg:$0x8] =	wrdreg s20  }
0x14: {  	s19 =	sadd.s32 $0x3C00, s16;
	s23 =	sadd.s32 $0x3BB0, s8;
	[dreg:$0x9] =	wrdreg s21  }
0x15: {  	s0 =	simm.s32 $0x1800;
	[dreg:$0xa] =	wrdreg s22;
	s20 =	sadd.s32 $0x4600, s16  }
0x16: {  	v1 =	vlaneseq.u32;
	v2 =	vimm.s32 $0xFFFFFF81;
	s21 =	sadd.s32 s1, s13;
	s22 =	sadd.s32 $0x31B0, s8;
	s1 =	simm.s32 $0x2600;
	v0 =	vpop (erf)  }
.LBB2_1:
0x17: {  	s5 =	simm.s32 @p0 $0x0;
	s6 =	rddreg [dreg:$0xc]  }
0x18: {  	[tilespmem:s5], [sflag:$0x1] =	stream.linear.gather @p0 [hbm4b:s6+s5], $0xA0, $0x38;
	[tilespmem:$0x3A00] =	vst v63  }
0x19: {  	s6 =	simm.s32 @p0 $0x1  }
0x1a: {  	_ =	swait.ge @p0 [sflag:s6], $0xA0  }
0x1b: {  	[sflag:s6] =	ssyncset.done @p0 $0x0  }
0x1c: {  	s7 =	simm.s32 @p0 $0x280;
	s8 =	rddreg [dreg:$0xd];
	[sflag:s6] =	ssyncadd.s32 @p0 $0xFFFFFF60  }
0x1d: {  	[tilespmem:s7], [sflag:$0x1] =	stream.linear.gather @p0 [hbm4b:s8+s5], $0xA0, $0x38;
	[tilespmem:$0x3A00] =	vst v63  }
0x1e: {  	_ =	swait.ge @p0 [sflag:s6], $0xA0  }
0x1f: {  	[sflag:s6] =	ssyncset.done @p0 $0x0  }
0x20: {  	s7 =	simm.s32 @p0 $0x500;
	s8 =	rddreg [dreg:$0xe];
	[sflag:s6] =	ssyncadd.s32 @p0 $0xFFFFFF60  }
0x21: {  	[tilespmem:s7], [sflag:$0x1] =	stream.linear.gather @p0 [hbm4b:s8+s5], $0xA0, $0x38;
	[tilespmem:$0x3A00] =	vst v63  }
0x22: {  	_ =	swait.ge @p0 [sflag:s6], $0xA0  }
0x23: {  	[sflag:s6] =	ssyncset.done @p0 $0x0  }
0x24: {  	s7 =	simm.s32 @p0 $0x780;
	s8 =	rddreg [dreg:$0xf];
	[sflag:s6] =	ssyncadd.s32 @p0 $0xFFFFFF60  }
0x25: {  	[tilespmem:s7], [sflag:$0x1] =	stream.linear.gather @p0 [hbm4b:s8+s5], $0xA0, $0x38;
	[tilespmem:$0x3A00] =	vst v63  }
0x26: {  	_ =	swait.ge @p0 [sflag:s6], $0xA0  }
0x27: {  	[sflag:s6] =	ssyncset.done @p0 $0x0  }
0x28: {  	s5 =	simm.s32 @!p0 $0x0;
	[sflag:s6] =	ssyncadd.s32 @p0 $0xFFFFFF60;
	s6 =	rddreg [dreg:$0x8]  }
0x29: {  	[tilespmem:s5], [sflag:$0x1] =	stream.linear.gather @!p0 [hbm4b:s6+s5], $0x280, $0x38;
	[tilespmem:$0x3A00] =	vst v63  }
0x2a: {  	s6 =	simm.s32 @!p0 $0x1  }
0x2b: {  	_ =	swait.ge @!p0 [sflag:s6], $0x280  }
0x2c: {  	[sflag:s6] =	ssyncset.done @!p0 $0x0  }
0x2d: {  	s7 =	simm.s32 @!p0 $0x280;
	s8 =	rddreg [dreg:$0x9];
	[sflag:s6] =	ssyncadd.s32 @!p0 $0xFFFFFD80  }
0x2e: {  	[tilespmem:s7], [sflag:$0x1] =	stream.linear.gather @!p0 [hbm4b:s8+s5], $0x280, $0x38;
	[tilespmem:$0x3A00] =	vst v63  }
0x2f: {  	_ =	swait.ge @!p0 [sflag:s6], $0x280  }
0x30: {  	[sflag:s6] =	ssyncset.done @!p0 $0x0  }
0x31: {  	s7 =	simm.s32 @!p0 $0x500;
	s8 =	rddreg [dreg:$0xa];
	[sflag:s6] =	ssyncadd.s32 @!p0 $0xFFFFFD80  }
0x32: {  	[tilespmem:s7], [sflag:$0x1] =	stream.linear.gather @!p0 [hbm4b:s8+s5], $0x280, $0x38;
	[tilespmem:$0x3A00] =	vst v63  }
0x33: {  	_ =	swait.ge @!p0 [sflag:s6], $0x280  }
0x34: {  	[sflag:s6] =	ssyncset.done @!p0 $0x0  }
0x35: {  	s7 =	simm.s32 @!p0 $0x780;
	s8 =	rddreg [dreg:$0xb];
	[sflag:s6] =	ssyncadd.s32 @!p0 $0xFFFFFD80  }
0x36: {  	[tilespmem:s7], [sflag:$0x1] =	stream.linear.gather @!p0 [hbm4b:s8+s5], $0x280, $0x38;
	[tilespmem:$0x3A00] =	vst v63  }
0x37: {  	_ =	swait.ge @!p0 [sflag:s6], $0x280  }
0x38: {  	[sflag:s6] =	ssyncset.done @!p0 $0x0  }
0x39: {  	s11 =	rddreg [dreg:$0x4];
	[sflag:s6] =	ssyncadd.s32 @!p0 $0xFFFFFD80  }
0x3a: {  	[tilespmem:s29], [sflag:$0x1] =	stream.linear.gather [hbm4b:s11+s3], $0x700, $0x38;
	[tilespmem:$0x3A00] =	vst v63  }
0x3b: {  	_ =	swait.ge [sflag:s30], $0x700  }
0x3c: {  	[sflag:s30] =	ssyncset.done $0x0  }
0x3d: {  	s12 =	rddreg [dreg:$0x5];
	[sflag:s30] =	ssyncadd.s32 $0xFFFFF900  }
0x3e: {  	[tilespmem:s31], [sflag:$0x1] =	stream.linear.gather [hbm4b:s12+s3], $0x700, $0x38;
	[tilespmem:$0x3A00] =	vst v63  }
0x3f: {  	_ =	swait.ge [sflag:s30], $0x700  }
0x40: {  	[sflag:s30] =	ssyncset.done $0x0  }
0x41: {  	s13 =	rddreg [dreg:$0x6];
	[sflag:s30] =	ssyncadd.s32 $0xFFFFF900  }
0x42: {  	[tilespmem:s0], [sflag:$0x1] =	stream.linear.gather [hbm4b:s13+s3], $0x700, $0x38;
	[tilespmem:$0x3A00] =	vst v63  }
0x43: {  	_ =	swait.ge [sflag:s30], $0x700  }
0x44: {  	[sflag:s30] =	ssyncset.done $0x0  }
0x45: {  	[sflag:s30] =	ssyncadd.s32 $0xFFFFF900  }
0x46: {  	s15 =	rddreg [dreg:$0x0]  }
0x47: {  	[tilespmem:s2], [sflag:$0x1] =	stream.linear.gather [hbm4b:s15+s3], $0x700, $0x38;
	[tilespmem:$0x3A00] =	vst v63  }
0x48: {  	_ =	swait.ge [sflag:s30], $0x700  }
0x49: {  	[sflag:s30] =	ssyncset.done $0x0  }
0x4a: {  	s16 =	rddreg [dreg:$0x7];
	[sflag:s30] =	ssyncadd.s32 $0xFFFFF900  }
0x4b: {  	[tilespmem:s1], [sflag:$0x1] =	stream.linear.gather [hbm4b:s16+s3], $0x80, $0x38;
	[tilespmem:$0x3A00] =	vst v63  }
0x4c: {  	_ =	swait.ge [sflag:s30], $0x80  }
0x4d: {  	[sflag:s30] =	ssyncset.done $0x0  }
0x4e: {  	s5 =	simm.s32 $0x0;
	[sflag:s30] =	ssyncadd.s32 $0xFFFFFF80  }
0x4f: {  	v5 =	vld [tilespmem:s5+$0x1800]  }
0x50: {  	v6 =	vld [tilespmem:s5+$0xA00]  }
0x51: {  	v7 =	vld [tilespmem:s5+$0x1F00]  }
0x52: {  	v8 =	vld [tilespmem:s5+$0x1100];
	_ =	sdelay $0x1  }
0x53: {  	s6 =	simm.s32 $0x10  }
0x54: {  	v3 =	vld [tilespmem:s6+$0x1800]  }
0x55: {  	v4 =	vld [tilespmem:s6+$0xA00]  }
0x56: {  	v9 =	vsub.f32 v5, v6;
	v7 =	vsub.f32 v7, v8;
	v5 =	vld [tilespmem:s6+$0x1F00]  }
0x57: {  	v6 =	vld [tilespmem:s6+$0x1100]  }
0x58: {  	s7 =	simm.s32 $0x80;
	v7 =	vmul.f32 v7, v9  }
.LBB2_2:
0x59: {  	s8 =	sshra.s32 s7, $0x2;
	v8 =	vmov v3;
	p1 =	sne.s32 s7, $0x1BC0  }
.Ltmp0:
0x5a: {  	v3 =	vld [tilespmem:s8+$0x1800];
	[tilespmem:s5+$0x2680] =	vst v7;
	v7 =	vmov v4;
	s5 =	smov.u32 s6;
	(pc) =	sbr.rel @p1 .LBB2_2-.Ltmp0, $4  }
0x5b: {  	s6 =	smov.u32 s8;
	v4 =	vld [tilespmem:s8+$0xA00]  }
0x5c: {  	s7 =	sadd.s32 $0x40, s7;
	v7 =	vsub.f32 v8, v7;
	v8 =	vsub.f32 v5, v6;
	v5 =	vld [tilespmem:s6+$0x1F00]  }
0x5d: {  	v6 =	vld [tilespmem:s6+$0x1100]  }
0x5e: {  	v7 =	vmul.f32 v8, v7  }
0x5f: {  	_ =	sdelay $0x2  }
0x60: {  	v3 =	vsub.f32 v3, v4;
	v63 =	vsub.f32 v5, v6;
	_ =	sdelay $0x1  }
0x61: {  	v3 =	vmul.f32 v63, v3  }
0x62: {  	[tilespmem:s5+$0x2680] =	vst v7  }
0x63: {  	s5 =	simm.s32 $0x0;
	[tilespmem:s6+$0x2680] =	vst v3  }
.LBB2_4:
0x64: {  	s6 =	sshll.u32 s5, $0x4  }
0x65: {  	v5 =	vld [tilespmem:s6+$0x0]  }
0x66: {  	v3 =	vld [tilespmem:s6+$0x280]  }
0x67: {  	v6 =	vld [tilespmem:s6+$0x500]  }
0x68: {  	s7 =	simm.s32 $0x26A0;
	v4 =	vld [tilespmem:s6+$0x780]  }
0x69: {  	v11 =	vld [tilespmem:s7+$0x0]  }
0x6a: {  	s8 =	simm.s32 $0xA20;
	v12 =	vld [tilespmem:s7+$0xFFFFFFF0]  }
0x6b: {  	s9 =	simm.s32 $0x1120;
	v13 =	vld [tilespmem:s8+$0x10]  }
0x6c: {  	s10 =	simm.s32 $0x1820;
	v14 =	vld [tilespmem:s9+$0x10]  }
0x6d: {  	s11 =	simm.s32 $0x1F20;
	v15 =	vld [tilespmem:s10+$0x10]  }
0x6e: {  	v16 =	vld [tilespmem:s11+$0x10]  }
0x6f: {  	v17 =	vld [tilespmem:s7+$0xFFFFFFE0]  }
0x70: {  	v18 =	vld [tilespmem:s8+$0x0]  }
0x71: {  	v19 =	vld [tilespmem:s9+$0x0]  }
0x72: {  	v20 =	vld [tilespmem:s10+$0x0]  }
0x73: {  	v21 =	vld [tilespmem:s11+$0x0]  }
0x74: {  	v22 =	vld [tilespmem:s8+$0xFFFFFFF0]  }
0x75: {  	v23 =	vld [tilespmem:s9+$0xFFFFFFF0]  }
0x76: {  	v24 =	vld [tilespmem:s10+$0xFFFFFFF0]  }
0x77: {  	v26 =	vld [tilespmem:s8+$0xFFFFFFE0]  }
0x78: {  	v27 =	vld [tilespmem:s9+$0xFFFFFFE0]  }
0x79: {  	v28 =	vld [tilespmem:s10+$0xFFFFFFE0]  }
0x7a: {  	v29 =	vld [tilespmem:s11+$0xFFFFFFE0]  }
0x7b: {  	v25 =	vld [tilespmem:s11+$0xFFFFFFF0]  }
0x7c: {  	s12 =	simm.s32 $0x26E0;
	v30 =	vld [tilespmem:s7+$0x10];
	v8 =	vsub.f32 v6, v5;
	v7 =	vsub.f32 v4, v3;
	v13 =	vmax.f32 v13, v5  }
0x7d: {  	v32 =	vld [tilespmem:s12+$0x0];
	s8 =	simm.s32 $0xA60;
	v31 =	vmax.f32 v14, v3;
	v15 =	vmin.f32 v15, v6;
	v16 =	vmin.f32 v16, v4  }
0x7e: {  	s9 =	simm.s32 $0x1160;
	v33 =	vld [tilespmem:s8+$0x10];
	v20 =	vmin.f32 v20, v6;
	v22 =	vmax.f32 v22, v5;
	v26 =	vmax.f32 v26, v5  }
0x7f: {  	s10 =	simm.s32 $0x1860;
	v34 =	vld [tilespmem:s9+$0x10];
	v27 =	vmax.f32 v27, v3;
	v28 =	vmin.f32 v28, v6;
	v29 =	vmin.f32 v29, v4  }
0x80: {  	v35 =	vld [tilespmem:s10+$0x10];
	v24 =	vmin.f32 v24, v6;
	v23 =	vmax.f32 v23, v3;
	v25 =	vmin.f32 v25, v4  }
0x81: {  	s11 =	simm.s32 $0x1F60;
	v36 =	vld [tilespmem:s9+$0x0];
	v21 =	vmin.f32 v21, v4;
	v26 =	vsub.f32 v28, v26;
	v27 =	vsub.f32 v29, v27  }
0x82: {  	v37 =	vld [tilespmem:s11+$0x0];
	v22 =	vsub.f32 v24, v22;
	v23 =	vsub.f32 v25, v23;
	v9 =	vmul.f32 v7, v8  }
0x83: {  	v38 =	vld [tilespmem:s8+$0xFFFFFFF0];
	v15 =	vsub.f32 v15, v13;
	v16 =	vsub.f32 v16, v31;
	v24 =	vmax.f32 v26, $0.0e+00  }
0x84: {  	v39 =	vld [tilespmem:s9+$0xFFFFFFF0];
	v26 =	vmax.f32 v27, $0.0e+00;
	v14 =	vadd.f32 v17, v9;
	v17 =	vmax.f32 v18, v5  }
0x85: {  	v40 =	vld [tilespmem:s10+$0xFFFFFFF0];
	v18 =	vmax.f32 v19, v3;
	v20 =	vsub.f32 v20, v17;
	v17 =	vmul.f32 v26, v24  }
0x86: {  	v41 =	vld [tilespmem:s11+$0xFFFFFFF0];
	v18 =	vsub.f32 v21, v18;
	v21 =	vmax.f32 v22, $0.0e+00;
	v22 =	vmax.f32 v23, $0.0e+00  }
0x87: {  	v25 =	vld [tilespmem:s12+$0xFFFFFFE0];
	v12 =	vadd.f32 v12, v9;
	v24 =	vsub.f32 v14, v17;
	v14 =	vmul.f32 v22, v21  }
0x88: {  	v19 =	vld [tilespmem:s12+$0xFFFFFFF0];
	v11 =	vadd.f32 v11, v9;
	v13 =	vmax.f32 v20, $0.0e+00;
	v18 =	vmax.f32 v18, $0.0e+00  }
0x89: {  	v28 =	vld [tilespmem:s11+$0x10];
	v13 =	vmul.f32 v18, v13;
	(erf) = vrcp.f32 v24;
	v18 =	vsub.f32 v12, v14  }
0x8a: {  	v29 =	vld [tilespmem:s8+$0x0];
	v20 =	vadd.f32 v30, v9;
	v12 =	vmax.f32 v15, $0.0e+00;
	v15 =	vmax.f32 v16, $0.0e+00  }
0x8b: {  	v27 =	vld [tilespmem:s10+$0xFFFFFFE0];
	v21 =	vsub.f32 v11, v13;
	v15 =	vmul.f32 v15, v12;
	(erf) = vrcp.f32 v18  }
0x8c: {  	v10 =	vimm.f32 $-1.000000000e+00;
	v30 =	vld [tilespmem:s8+$0xFFFFFFE0];
	v22 =	vadd.f32 v25, v9;
	v25 =	vmax.f32 v36, v3  }
0x8d: {  	v23 =	vld [tilespmem:s10+$0x0];
	v16 =	vadd.f32 v19, v9;
	v26 =	vsub.f32 v20, v15;
	(erf) = vrcp.f32 v21  }
0x8e: {  	v19 =	vmax.f32 v33, v5;
	v24 =	vld [tilespmem:s9+$0xFFFFFFE0];
	v33 =	vmin.f32 v37, v4;
	v12 =	vimm.s32 $0x0  }
0x8f: {  	v31 =	vld [tilespmem:s11+$0xFFFFFFE0];
	v11 =	vadd.f32 v32, v9;
	v32 =	vmax.f32 v38, v5;
	(erf) = vrcp.f32 v26  }
0x90: {  	v18 =	vmax.f32 v34, v3;
	v34 =	vmin.f32 v41, v4;
	v21 =	vmin.f32 v35, v6  }
0x91: {  	s13 =	simm.s32 $0x2720;
	v20 =	vmin.f32 v28, v4;
	v28 =	vmax.f32 v39, v3;
	v30 =	vmax.f32 v30, v5  }
0x92: {  	s15 =	simm.s32 $0x8;
	s7 =	simm.s32 $0x4;
	v35 =	vmin.f32 v40, v6;
	v26 =	vmax.f32 v29, v5;
	v29 =	vmin.f32 v23, v6;
	v23 =	vld [tilespmem:s12+$0x10];
	s12 =	simm.s32 $0x0;
	v36 =	vpop (erf)  }
.LBB2_5:
0x93: {  	v37 =	vld [tilespmem:s13+$0x0];
	p1 =	slt.u32 s15, $0x60;
	v24 =	vmax.f32 v24, v3;
	v27 =	vmin.f32 v27, v6;
	v38 =	vmul.f32 v36, v17  }
0x94: {  	v26 =	vsub.f32 v29, v26;
	v25 =	vsub.f32 v33, v25;
	s8 =	sadd.s32 $0x40, s8;
	v36 =	vld [tilespmem:s13+$0xFFFFFFF0];
	v31 =	vmin.f32 v31, v4;
	v29 =	vpop (erf)  }
0x95: {  	v32 =	vsub.f32 v35, v32;
	s9 =	sadd.s32 $0x40, s9;
	v33 =	vld [tilespmem:s8+$0x10];
	vm0 =	vgt.f32 v38, v10;
	v35 =	vmul.f32 v29, v14  }
0x96: {  	v28 =	vsub.f32 v34, v28;
	s10 =	sadd.s32 $0x40, s10;
	v29 =	vld [tilespmem:s9+$0x10];
	v10 =	vsel vm0, v38, v10;
	v12 =	vsel vm0, s12, v12;
	v17 =	vpop (erf)  }
0x97: {  	s11 =	sadd.s32 $0x40, s11;
	s16 =	sadd.s32 $0x1, s12;
	v27 =	vsub.f32 v27, v30;
	v34 =	vld [tilespmem:s10+$0x10];
	vm0 =	vgt.f32 v35, v10;
	v13 =	vmul.f32 v17, v13  }
0x98: {  	v17 =	vsub.f32 v31, v24;
	v30 =	vld [tilespmem:s11+$0x10];
	v10 =	vsel vm0, v35, v10;
	v12 =	vsel vm0, s16, v12;
	v14 =	vpop (erf)  }
0x99: {  	v24 =	vmax.f32 v27, $0.0e+00;
	s16 =	sadd.s32 $0x2, s12;
	v35 =	vld [tilespmem:s13+$0xFFFFFFE0];
	vm0 =	vgt.f32 v13, v10;
	v14 =	vmul.f32 v14, v15  }
0x9a: {  	v15 =	vmax.f32 v17, $0.0e+00;
	v38 =	vld [tilespmem:s8+$0x0];
	v10 =	vsel vm0, v13, v10;
	v12 =	vsel vm0, s16, v12  }
0x9b: {  	v17 =	vmul.f32 v15, v24;
	v13 =	vmax.f32 v32, $0.0e+00;
	s16 =	sadd.s32 $0x3, s12;
	s12 =	smov.u32 s7;
	s7 =	smov.u32 s15;
	v39 =	vld [tilespmem:s9+$0x0];
	vm0 =	vgt.f32 v14, v10  }
0x9c: {  	v15 =	vmax.f32 v28, $0.0e+00;
	v32 =	vld [tilespmem:s10+$0x0];
	v10 =	vsel vm0, v14, v10;
	v12 =	vsel vm0, s16, v12  }
0x9d: {  	v22 =	vsub.f32 v22, v17;
	v14 =	vmul.f32 v15, v13;
	v15 =	vsub.f32 v21, v19;
	v40 =	vld [tilespmem:s11+$0x0]  }
0x9e: {  	v18 =	vsub.f32 v20, v18;
	v13 =	vmax.f32 v26, $0.0e+00;
	v19 =	vmax.f32 v25, $0.0e+00;
	v28 =	vld [tilespmem:s8+$0xFFFFFFF0]  }
0x9f: {  	v13 =	vmul.f32 v19, v13;
	v16 =	vsub.f32 v16, v14;
	v41 =	vld [tilespmem:s9+$0xFFFFFFF0];
	(erf) = vrcp.f32 v22  }
0xa0: {  	v18 =	vmax.f32 v18, $0.0e+00;
	v19 =	vadd.f32 v23, v9;
	v15 =	vmax.f32 v15, $0.0e+00;
	v42 =	vld [tilespmem:s10+$0xFFFFFFF0]  }
0xa1: {  	v20 =	vsub.f32 v11, v13;
	v15 =	vmul.f32 v18, v15;
	v23 =	vld [tilespmem:s11+$0xFFFFFFF0];
	(erf) = vrcp.f32 v16  }
0xa2: {  	v11 =	vadd.f32 v37, v9;
	v43 =	vld [tilespmem:s8+$0xFFFFFFE0]  }
0xa3: {  	v16 =	vadd.f32 v36, v9;
	v25 =	vsub.f32 v19, v15;
	v24 =	vld [tilespmem:s9+$0xFFFFFFE0];
	(erf) = vrcp.f32 v20  }
.Ltmp1:
0xa4: {  	v21 =	vmin.f32 v34, v6;
	v18 =	vmax.f32 v29, v3;
	v19 =	vmax.f32 v33, v5;
	v27 =	vld [tilespmem:s10+$0xFFFFFFE0];
	(pc) =	sbr.rel @p1 .LBB2_5-.Ltmp1, $4  }
0xa5: {  	v22 =	vadd.f32 v35, v9;
	v20 =	vmin.f32 v30, v4;
	v31 =	vld [tilespmem:s11+$0xFFFFFFE0];
	(erf) = vrcp.f32 v25  }
0xa6: {  	v26 =	vmax.f32 v38, v5;
	v29 =	vmin.f32 v32, v6;
	v25 =	vmax.f32 v39, v3  }
0xa7: {  	v33 =	vmin.f32 v40, v4;
	v32 =	vmax.f32 v28, v5;
	v28 =	vmax.f32 v41, v3  }
0xa8: {  	s15 =	sadd.s32 $0x4, s15;
	v35 =	vmin.f32 v42, v6;
	v34 =	vmin.f32 v23, v4;
	v30 =	vmax.f32 v43, v5;
	v23 =	vld [tilespmem:s13+$0x10];
	s13 =	sadd.s32 $0x40, s13;
	v36 =	vpop (erf)  }
0xa9: {  	_ = 	snop  }
0xaa: {  	v24 =	vmax.f32 v24, v3;
	v27 =	vmin.f32 v27, v6;
	v31 =	vmin.f32 v31, v4  }
0xab: {  	v27 =	vsub.f32 v27, v30;
	v24 =	vsub.f32 v31, v24  }
0xac: {  	v58 =	vsub.f32 v35, v32;
	v28 =	vsub.f32 v34, v28  }
0xad: {  	v26 =	vsub.f32 v29, v26;
	v27 =	vmax.f32 v27, $0.0e+00;
	v24 =	vmax.f32 v24, $0.0e+00  }
0xae: {  	v25 =	vsub.f32 v33, v25;
	v19 =	vsub.f32 v21, v19;
	v24 =	vmul.f32 v24, v27  }
0xaf: {  	v18 =	vsub.f32 v20, v18;
	v59 =	vmax.f32 v58, $0.0e+00;
	v28 =	vmax.f32 v28, $0.0e+00  }
0xb0: {  	v60 =	vmax.f32 v26, $0.0e+00;
	v27 =	vmul.f32 v28, v59;
	v22 =	vsub.f32 v22, v24  }
0xb1: {  	v25 =	vmax.f32 v25, $0.0e+00;
	v19 =	vmax.f32 v19, $0.0e+00;
	v18 =	vmax.f32 v18, $0.0e+00  }
0xb2: {  	v61 =	vmul.f32 v25, v60;
	v16 =	vsub.f32 v16, v27;
	(erf) = vrcp.f32 v22  }
0xb3: {  	v17 =	vmul.f32 v36, v17;
	v18 =	vmul.f32 v18, v19  }
0xb4: {  	v9 =	vadd.f32 v23, v9;
	v11 =	vsub.f32 v11, v61;
	(erf) = vrcp.f32 v16  }
0xb5: {  	v62 =	vpop (erf);
	vm0 =	vgt.f32 v17, v10  }
0xb6: {  	v14 =	vmul.f32 v62, v14;
	v9 =	vsub.f32 v9, v18;
	(erf) = vrcp.f32 v11  }
0xb7: {  	v10 =	vsel vm0, v17, v10;
	v63 =	vpop (erf)  }
0xb8: {  	vm1 =	vgt.f32 v14, v10;
	v11 =	vmul.f32 v63, v13;
	(erf) = vrcp.f32 v9  }
0xb9: {  	v10 =	vsel vm1, v14, v10;
	v16 =	vpop (erf)  }
0xba: {  	v9 =	vmul.f32 v16, v15;
	vm2 =	vgt.f32 v11, v10  }
0xbb: {  	v10 =	vsel vm2, v11, v10;
	v17 =	vpop (erf)  }
0xbc: {  	vm3 =	vgt.f32 v9, v10;
	v11 =	vmul.f32 v17, v24  }
0xbd: {  	v9 =	vsel vm3, v9, v10;
	v19 =	vpop (erf)  }
0xbe: {  	s8 =	sadd.s32 $0x1, s12;
	v12 =	vsel vm0, s12, v12;
	v10 =	vmul.f32 v19, v27;
	vm10 =	vgt.f32 v11, v9  }
0xbf: {  	s11 =	sadd.s32 $0x2, s12;
	v12 =	vsel vm1, s8, v12;
	v21 =	vpop (erf);
	v9 =	vsel vm10, v11, v9  }
0xc0: {  	s12 =	sadd.s32 $0x3, s12;
	v12 =	vsel vm2, s11, v12;
	v11 =	vmul.f32 v21, v61;
	vm11 =	vgt.f32 v10, v9  }
0xc1: {  	v12 =	vsel vm3, s12, v12;
	v22 =	vpop (erf);
	v9 =	vsel vm11, v10, v9  }
0xc2: {  	s13 =	sadd.s32 $0x1, s7;
	v12 =	vsel vm10, s7, v12;
	v10 =	vmul.f32 v22, v18;
	vm12 =	vgt.f32 v11, v9  }
0xc3: {  	s15 =	sadd.s32 $0x2, s7;
	v12 =	vsel vm11, s13, v12;
	v9 =	vsel vm12, v11, v9  }
0xc4: {  	s16 =	sadd.s32 $0x3, s7;
	v23 =	vsel vm12, s15, v12;
	vm13 =	vgt.f32 v10, v9  }
0xc5: {  	v11 =	vsel vm13, s16, v23  }
0xc6: {  	v25 =	vmul.f32 $1.000000010e-01, v8;
	v24 =	vshll.u32 v11, $0x4  }
0xc7: {  	v26 =	vmul.f32 $1.000000010e-01, v7;
	v12 =	vor.u32 v1, v24  }
0xc8: {  	(erf) = vrcp.f32 v25  }
0xc9: {  	(erf) = vrcp.f32 v26  }
0xca: {  	(erf) = vrcp.f32 v8;
	_ =	sdelay $0x1  }
0xcb: {  	v27 =	vld.idx.msk [tilespmem:v12+s29+$0x0], $0xffff  }
0xcc: {  	v28 =	vld.idx.msk [tilespmem:v12+s0+$0x0], $0xffff;
	_ =	sdelay $0x3  }
0xcd: {  	v29 =	vpop (erf)  }
0xce: {  	v30 =	vpop (erf);
	v31 =	vsub.f32 v28, v27  }
0xcf: {  	v32 =	vpop (erf)  }
0xd0: {  	v16 =	vmul.f32 v31, v32;
	_ =	sdelay $0x1  }
0xd1: {  	v16 =	vadd.f32 $9.999999970e-07, v16;
	_ =	sdelay $0x1  }
0xd2: {  	v33 =	vand.u32 $0x7FFFFF, v16  }
0xd3: {  	v17 =	vor.u32 $0x3F800000, v33  }
0xd4: {  	v34 =	vmul.f32 $5.000000000e-01, v17  }
0xd5: {  	vm14 =	vgt.f32 v17, $1.414213540e+00  }
0xd6: {  	v17 =	vsel vm14, v34, v17  }
0xd7: {  	v18 =	vadd.f32 $1.000000000e+00, v17;
	_ =	sdelay $0x1  }
0xd8: {  	(erf) = vrcp.f32 v18  }
0xd9: {  	(erf) = vrcp.f32 v7;
	_ =	sdelay $0x1  }
0xda: {  	v35 =	vld.idx.msk [tilespmem:v12+s31+$0x0], $0xffff  }
0xdb: {  	v12 =	vld.idx.msk [tilespmem:v12+s2+$0x0], $0xffff;
	_ =	sdelay $0x4  }
0xdc: {  	v36 =	vsub.f32 v12, v35;
	v18 =	vpop (erf)  }
0xdd: {  	v37 =	vpop (erf)  }
0xde: {  	v19 =	vmul.f32 v36, v37;
	_ =	sdelay $0x1  }
0xdf: {  	v19 =	vadd.f32 $9.999999970e-07, v19;
	_ =	sdelay $0x1  }
0xe0: {  	v38 =	vand.u32 $0x7FFFFF, v19  }
0xe1: {  	v20 =	vor.u32 $0x3F800000, v38  }
0xe2: {  	v39 =	vmul.f32 $5.000000000e-01, v20  }
0xe3: {  	vm15 =	vgt.f32 v20, $1.414213540e+00  }
0xe4: {  	v20 =	vsel vm15, v39, v20  }
0xe5: {  	v21 =	vadd.f32 $1.000000000e+00, v20;
	_ =	sdelay $0x1  }
0xe6: {  	(erf) = vrcp.f32 v21;
	_ =	sdelay $0x6  }
0xe7: {  	v17 =	vadd.f32 $-1.000000000e+00, v17  }
0xe8: {  	v40 =	vadd.f32 $-1.000000000e+00, v20  }
0xe9: {  	v17 =	vmul.f32 v18, v17;
	v41 =	vpop (erf)  }
0xea: {  	v18 =	vmul.f32 v41, v40  }
0xeb: {  	v42 =	vmul.f32 v17, v17  }
0xec: {  	v44 =	vmul.f32 v18, v18  }
0xed: {  	v43 =	vmul.f32 $1.111111120e-01, v42  }
0xee: {  	v45 =	vmul.f32 $1.111111120e-01, v44  }
0xef: {  	v20 =	vadd.f32 $1.428571490e-01, v43  }
0xf0: {  	v23 =	vadd.f32 $1.428571490e-01, v45  }
0xf1: {  	v20 =	vmul.f32 v20, v42  }
0xf2: {  	v3 =	vadd.f32 v4, v3;
	v23 =	vmul.f32 v23, v44  }
0xf3: {  	v5 =	vadd.f32 v6, v5;
	v20 =	vadd.f32 $2.000000030e-01, v20  }
0xf4: {  	v3 =	vmul.f32 $5.000000000e-01, v3;
	v53 =	vshra.s32 v16, $0x17;
	v47 =	vadd.f32 $2.000000030e-01, v23  }
0xf5: {  	v48 =	vsel vm14, $0xFFFFFF82, v2;
	v7 =	vadd.f32 v12, v35;
	v46 =	vmul.f32 v20, v42  }
0xf6: {  	v8 =	vadd.f32 v28, v27;
	v4 =	vadd.s32 v53, v48;
	v52 =	vmul.f32 v47, v44  }
0xf7: {  	v4 =	vcvt.s32.f32 v4;
	v7 =	vmul.f32 $5.000000000e-01, v7;
	v51 =	vadd.f32 $3.333333430e-01, v46  }
0xf8: {  	v5 =	vmul.f32 $5.000000000e-01, v5;
	v50 =	vmul.f32 $5.000000000e-01, v8;
	v54 =	vadd.f32 $3.333333430e-01, v52  }
0xf9: {  	v4 =	vmul.f32 $6.931471820e-01, v4;
	v3 =	vsub.f32 v7, v3;
	v8 =	vmul.f32 v51, v42  }
0xfa: {  	v55 =	vshra.s32 v19, $0x17;
	v49 =	vsel vm15, $0xFFFFFF82, v2;
	v12 =	vmul.f32 v54, v44  }
0xfb: {  	v59 =	vld.idx.msk [tilespmem:v11+s1+$0x0], $0xffff;
	v56 =	vadd.f32 v17, v17;
	v13 =	vadd.s32 v55, v49;
	v8 =	vadd.f32 $1.000000000e+00, v8  }
0xfc: {  	v13 =	vcvt.s32.f32 v13;
	v57 =	vadd.f32 v18, v18;
	v12 =	vadd.f32 $1.000000000e+00, v12  }
0xfd: {  	v5 =	vsub.f32 v50, v5;
	v3 =	vmul.f32 v3, v30;
	v58 =	vmul.f32 v8, v56  }
0xfe: {  	s5 =	sadd.s32 $0x1, s5;
	v60 =	vmul.f32 $6.931471820e-01, v13;
	v61 =	vmul.f32 v12, v57  }
0xff: {  	p1 =	sne.s32 s5, s14;
	v63 =	vsel vm13, v10, v9;
	v5 =	vmul.f32 v5, v29;
	v4 =	vadd.f32 v58, v4  }
.Ltmp2:
0x100: {  	vm0 =	vlt.f32 v63, $5.000000000e-01;
	[tilespmem:s6+$0x3000] =	vst v3;
	v3 =	vadd.s32 $0x1, v59;
	v62 =	vadd.f32 v61, v60;
	(pc) =	sbr.rel @p1 .LBB2_4-.Ltmp2, $4  }
0x101: {  	[tilespmem:s6+$0x2D80] =	vst v5;
	v3 =	vsel vm0, $0x0, v3;
	v4 =	vmul.f32 v4, v0  }
0x102: {  	[tilespmem:s6+$0x3780] =	vst v3;
	v6 =	vmul.f32 v62, v0  }
0x103: {  	[tilespmem:s6+$0x3280] =	vst v4  }
0x104: {  	[tilespmem:s6+$0x3500] =	vst v6  }
0x105: {  	s5 =	simm.s32 @p0 $0x0;
	s6 =	simm.s32 @p0 $0x2D80  }
0x106: {  	[hbm4b:s22+s5] =	stream.linear.scatter @p0 [tilespmem:s6], [sflag:$0x1], $0xA0, $0x38;
	[tilespmem:$0x3A00] =	vst v63  }
0x107: {  	s6 =	simm.s32 @p0 $0x1  }
0x108: {  	_ =	swait.ge @p0 [sflag:s6], $0xA0  }
0x109: {  	[sflag:s6] =	ssyncset.done @p0 $0x0  }
0x10a: {  	s7 =	simm.s32 @p0 $0x3000;
	[sflag:s6] =	ssyncadd.s32 @p0 $0xFFFFFF60  }
0x10b: {  	[hbm4b:s23+s5] =	stream.linear.scatter @p0 [tilespmem:s7], [sflag:$0x1], $0xA0, $0x38;
	[tilespmem:$0x3A00] =	vst v63  }
0x10c: {  	_ =	swait.ge @p0 [sflag:s6], $0xA0  }
0x10d: {  	[sflag:s6] =	ssyncset.done @p0 $0x0  }
0x10e: {  	s7 =	simm.s32 @p0 $0x3280;
	[sflag:s6] =	ssyncadd.s32 @p0 $0xFFFFFF60  }
0x10f: {  	[hbm4b:s26+s5] =	stream.linear.scatter @p0 [tilespmem:s7], [sflag:$0x1], $0xA0, $0x38;
	[tilespmem:$0x3A00] =	vst v63  }
0x110: {  	_ =	swait.ge @p0 [sflag:s6], $0xA0  }
0x111: {  	[sflag:s6] =	ssyncset.done @p0 $0x0  }
0x112: {  	s7 =	simm.s32 @p0 $0x3500;
	[sflag:s6] =	ssyncadd.s32 @p0 $0xFFFFFF60  }
0x113: {  	[hbm4b:s28+s5] =	stream.linear.scatter @p0 [tilespmem:s7], [sflag:$0x1], $0xA0, $0x38;
	[tilespmem:$0x3A00] =	vst v63  }
0x114: {  	_ =	swait.ge @p0 [sflag:s6], $0xA0  }
0x115: {  	[sflag:s6] =	ssyncset.done @p0 $0x0  }
0x116: {  	s7 =	simm.s32 @p0 $0x3780;
	[sflag:s6] =	ssyncadd.s32 @p0 $0xFFFFFF60  }
0x117: {  	[hbm4b:s24+s5] =	stream.linear.scatter @p0 [tilespmem:s7], [sflag:$0x1], $0xA0, $0x38;
	[tilespmem:$0x3A00] =	vst v63  }
0x118: {  	_ =	swait.ge @p0 [sflag:s6], $0xA0  }
0x119: {  	[sflag:s6] =	ssyncset.done @p0 $0x0  }
0x11a: {  	s5 =	simm.s32 @!p0 $0x0;
	[sflag:s6] =	ssyncadd.s32 @p0 $0xFFFFFF60;
	s6 =	simm.s32 @!p0 $0x2D80  }
0x11b: {  	[hbm4b:s17+s5] =	stream.linear.scatter @!p0 [tilespmem:s6], [sflag:$0x1], $0x280, $0x38;
	[tilespmem:$0x3A00] =	vst v63  }
0x11c: {  	s6 =	simm.s32 @!p0 $0x1  }
0x11d: {  	_ =	swait.ge @!p0 [sflag:s6], $0x280  }
0x11e: {  	[sflag:s6] =	ssyncset.done @!p0 $0x0  }
0x11f: {  	s7 =	simm.s32 @!p0 $0x3000;
	[sflag:s6] =	ssyncadd.s32 @!p0 $0xFFFFFD80  }
0x120: {  	[hbm4b:s18+s5] =	stream.linear.scatter @!p0 [tilespmem:s7], [sflag:$0x1], $0x280, $0x38;
	[tilespmem:$0x3A00] =	vst v63  }
0x121: {  	_ =	swait.ge @!p0 [sflag:s6], $0x280  }
0x122: {  	[sflag:s6] =	ssyncset.done @!p0 $0x0  }
0x123: {  	s7 =	simm.s32 @!p0 $0x3280;
	[sflag:s6] =	ssyncadd.s32 @!p0 $0xFFFFFD80  }
0x124: {  	[hbm4b:s19+s5] =	stream.linear.scatter @!p0 [tilespmem:s7], [sflag:$0x1], $0x280, $0x38;
	[tilespmem:$0x3A00] =	vst v63  }
0x125: {  	_ =	swait.ge @!p0 [sflag:s6], $0x280  }
0x126: {  	[sflag:s6] =	ssyncset.done @!p0 $0x0  }
0x127: {  	s7 =	simm.s32 @!p0 $0x3500;
	[sflag:s6] =	ssyncadd.s32 @!p0 $0xFFFFFD80  }
0x128: {  	[hbm4b:s20+s5] =	stream.linear.scatter @!p0 [tilespmem:s7], [sflag:$0x1], $0x280, $0x38;
	[tilespmem:$0x3A00] =	vst v63  }
0x129: {  	s4 =	sadd.s32 $0x1, s4;
	_ =	swait.ge @!p0 [sflag:s6], $0x280  }
0x12a: {  	p1 =	sne.s32 s4, s25;
	[sflag:s6] =	ssyncset.done @!p0 $0x0  }
.Ltmp3:
0x12b: {  	s7 =	simm.s32 @!p0 $0x3780;
	[sflag:s6] =	ssyncadd.s32 @!p0 $0xFFFFFD80;
	(pc) =	sbr.rel @p1 .LBB2_1-.Ltmp3, $4  }
0x12c: {  	[hbm4b:s21+s5] =	stream.linear.scatter @!p0 [tilespmem:s7], [sflag:$0x1], $0x280, $0x38;
	[tilespmem:$0x3A00] =	vst v63  }
0x12d: {  	_ =	swait.ge @!p0 [sflag:s6], $0x280  }
0x12e: {  	[sflag:s6] =	ssyncset.done @!p0 $0x0  }
0x12f: {  	[sflag:s6] =	ssyncadd.s32 @!p0 $0xFFFFFD80  }
0x130: {  	_ =	sfence.sel $0x180000  }
0x131: {  	[bflag:$0x0] =	sbarrier.arrive $0xFFFF  }
0x132: {  	_ =	strace $0x90000047  }
0x133: {  	s0 =	stileid.u32;
	[bflag:$0x2] =	sbarrier.arrive $0xFFFF  }
0x134: {  	p0 =	sne.s32 s0, $0x0;
	s0 =	rddreg [dreg:$0x3]  }
0x135: {  	s0 =	sadd.s32 @!p0 $0x100000, s0  }
0x136: {  	[sflag:s0] =	ssyncadd.tile.s32 @!p0 $0x1;
	_ =	shalt  }
.Lfunc_end2:
_tile_overlayer_lowered:
.L_overlay_start_2:
0x137: {  	(tag) =	ssettag $0x2  }
0x138: {  	s0 =	rddreg [dreg:$0x0];
	s2 =	stileid.u32  }
0x139: {  	s1 =	rddreg [dreg:$0x1];
	p0 =	sne.s32 s2, $0x0  }
0x13a: {  	s3 =	rddreg [dreg:$0x2];
	[bflag:$0x3] =	sbarrier.arrive $0xFFFF;
	s2 =	simm.s32 @!p0 $0x1C01  }
0x13b: {  	[timem:s3], [sflag:s2] =	dma.local @!p0 [hbm:s0], s1  }
0x13c: {  	s0 =	simm.s32 @!p0 $0x1  }
0x13d: {  	_ =	swait.ge @!p0 [sflag:s0], s1  }
0x13e: {  	s1 =	ssub.s32 @!p0 $0x0, s1;
	[sflag:s0] =	ssyncset.done @!p0 $0x0  }
0x13f: {  	[sflag:s0] =	ssyncadd.s32 @!p0 s1  }
0x140: {  	[bflag:$0x3] =	sbarrier.arrive $0xFFFF  }
0x141: {  	_ =	shalt  }

</sc_bundles>
